<compile_context>
chip_gen: v7x
topology: tpu7x:2x2x1
jax: 0.10.2.dev20260603
libtpu: 0.0.44.dev20260713+nightly
codegen_flags: <defaults>
</compile_context>

<pallas_src>
import functools

import jax
import jax.numpy as jnp
from jax import lax
from jax.experimental import pallas as pl
from jax.experimental.pallas import tpu as pltpu
from jax.experimental.pallas import tpu_sc as plsc

B = 16384
VOCAB = 1000000
DIM = 64
NEG = 512
CHUNKS = B // NEG
GCH = 128
CONV_CB = 32768


@functools.lru_cache(maxsize=None)
def _make_sc_gather(nw: int):
    b_per_w = B // nw
    n_gch = b_per_w // GCH
    mesh = plsc.VectorSubcoreMesh(core_axis_name="c", subcore_axis_name="s")
    nc = plsc.get_sparse_core_info().num_cores

    @functools.partial(
        pl.kernel,
        mesh=mesh,
        out_type=[
            jax.ShapeDtypeStruct((B, 2 * DIM), jnp.float32),
            jax.ShapeDtypeStruct((B, 2 * DIM), jnp.float32),
        ],
        scratch_types=[
            pltpu.VMEM((b_per_w,), jnp.int32),
            pltpu.VMEM((b_per_w,), jnp.int32),
            pltpu.VMEM((2 * GCH, 2 * DIM), jnp.float32),
            pltpu.VMEM((2 * GCH, 2 * DIM), jnp.float32),
            pltpu.SemaphoreType.DMA,
            pltpu.SemaphoreType.DMA,
        ],
    )
    def gather_kernel(lidx_hbm, ridx_hbm, t2_hbm, lhs_out, rhs_out,
                      lidx_v, ridx_v, lbuf, rbuf, gsem, wsem):
        wid = lax.axis_index("s") * nc + lax.axis_index("c")
        base = wid * b_per_w
        pltpu.sync_copy(lidx_hbm.at[wid], lidx_v)
        pltpu.sync_copy(ridx_hbm.at[wid], ridx_v)

        units = []
        for g in range(n_gch):
            units.append((lidx_v, lbuf, lhs_out, g))
            units.append((ridx_v, rbuf, rhs_out, g))

        def fire(u):
            idx_v, buf, out_hbm, g = u
            slot = (g % 2) * GCH
            return pltpu.async_copy(
                t2_hbm.at[idx_v.at[pl.ds(g * GCH, GCH)]],
                buf.at[pl.ds(slot, GCH)], gsem)

        gdescs = [fire(units[0]), fire(units[1]), fire(units[2]),
                  fire(units[3])]
        wdescs = []
        for u in range(len(units)):
            idx_v, buf, out_hbm, g = units[u]
            slot = (g % 2) * GCH
            gdescs[u].wait()
            wdescs.append(pltpu.async_copy(
                buf.at[pl.ds(slot, GCH)],
                out_hbm.at[pl.ds(base + g * GCH, GCH)], wsem))
            if u + 4 < len(units):
                wdescs[u].wait()
                gdescs.append(fire(units[u + 4]))
        for d in wdescs[-4:]:
            d.wait()

    return gather_kernel


def _tc_convert(tt, eye2):
    grid = (VOCAB + CONV_CB - 1) // CONV_CB

    def body(tt_ref, eye_ref, out_ref):
        out_ref[...] = lax.dot_general(
            tt_ref[...], eye_ref[...],
            (((0,), (0,)), ((), ())),
            preferred_element_type=jnp.float32,
        )

    return pl.pallas_call(
        body,
        grid=(grid,),
        compiler_params=pltpu.CompilerParams(
            vmem_limit_bytes=128 * 1024 * 1024),
        in_specs=[
            pl.BlockSpec((DIM, CONV_CB), lambda c: (0, c)),
            pl.BlockSpec((DIM, 2 * DIM), lambda c: (0, 0)),
        ],
        out_specs=pl.BlockSpec((CONV_CB, 2 * DIM), lambda c: (c, 0)),
        out_shape=jax.ShapeDtypeStruct((VOCAB, 2 * DIM), jnp.float32),
    )(tt, eye2)


def _tc_scores(lhs_rows, rhs_rows):
    def body(lp_ref, rp_ref, out_ref):
        for h in range(8):
            sl = pl.ds(h * NEG, NEG)
            out_ref[h] = lax.dot_general(
                lp_ref[sl, DIM:], rp_ref[sl, :DIM],
                (((1,), (1,)), ((), ())),
                preferred_element_type=jnp.float32,
            )

    return pl.pallas_call(
        body,
        grid=(CHUNKS // 8,),
        in_specs=[
            pl.BlockSpec((8 * NEG, 2 * DIM), lambda c: (c, 0)),
            pl.BlockSpec((8 * NEG, 2 * DIM), lambda c: (c, 0)),
        ],
        out_specs=pl.BlockSpec((8, NEG, NEG), lambda c: (c, 0, 0)),
        out_shape=jax.ShapeDtypeStruct((CHUNKS, NEG, NEG), jnp.float32),
    )(lhs_rows, rhs_rows)


def kernel(lhs_idx, rhs_idx, emb_table, rel_vec):
    info = plsc.get_sparse_core_info()
    nw = info.num_cores * info.num_subcores
    b_per_w = B // nw
    eye = jnp.eye(DIM, dtype=jnp.float32)
    eye2 = jnp.concatenate([eye, eye * rel_vec[None, :]], axis=1)
    t2 = _tc_convert(emb_table.T, eye2)
    lidx = lhs_idx.astype(jnp.int32)
    ridx = rhs_idx.astype(jnp.int32)
    lhs_rows, rhs_rows = _make_sc_gather(nw)(
        lidx.reshape(nw, b_per_w), ridx.reshape(nw, b_per_w), t2)
    return _tc_scores(lhs_rows, rhs_rows)

# --- scband reference (transcript-rebuilt; emitter-appended) ---
"""Pipeline reference for scband-multi-relation-embedder-1726576855634 (READ-ONLY COPY).

The authoritative reference and input builder live on the scoring server;
editing this copy changes nothing except your own understanding.
"""

import jax, jax.numpy as jnp
import numpy as np

B = 16384
VOCAB = 1000000
DIM = 64
NUM_BATCH_NEGS = 512
NUM_CHUNKS = B // NUM_BATCH_NEGS


def setup_inputs(seed: int = 0) -> dict:
    key = jax.random.key(seed)
    k1, k2, k3, k4 = jax.random.split(key, 4)
    lhs_idx = jax.random.randint(k1, (B,), 0, VOCAB, dtype=jnp.int64) if jax.config.jax_enable_x64 else jax.random.randint(k1, (B,), 0, VOCAB).astype(jnp.int32)
    rhs_idx = jax.random.randint(k2, (B,), 0, VOCAB, dtype=jnp.int64) if jax.config.jax_enable_x64 else jax.random.randint(k2, (B,), 0, VOCAB).astype(jnp.int32)
    emb_table = jax.random.normal(k3, (VOCAB, DIM), dtype=jnp.float32) * 0.02
    rel_vec = jax.random.normal(k4, (DIM,), dtype=jnp.float32)
    return {"lhs_idx": lhs_idx, "rhs_idx": rhs_idx, "emb_table": emb_table, "rel_vec": rel_vec}


def reference(lhs_idx, rhs_idx, emb_table, rel_vec):
    # SimpleEmbedding.get: F.embedding(input_, weight, sparse=True) -> table gather
    lhs = jnp.take(emb_table, lhs_idx, axis=0)          # [B, DIM]
    rhs = jnp.take(emb_table, rhs_idx, axis=0)          # [B, DIM]
    # Relation operator: learned multiplicative (diagonal) vector applied to lhs
    lhs_op = lhs * rel_vec[None, :]                     # [B, DIM]
    # PBG in-batch negatives: split batch into sub-batches of num_batch_negs,
    # score every lhs against every rhs within each sub-batch (dot comparator).
    lhs_c = lhs_op.reshape(NUM_CHUNKS, NUM_BATCH_NEGS, DIM)
    rhs_c = rhs.reshape(NUM_CHUNKS, NUM_BATCH_NEGS, DIM)
    scores = jnp.einsum("bnd,bmd->bnm", lhs_c, rhs_c)   # [chunks, negs, negs]; positives on the diagonal
    return scores

if __name__ == "__main__":
    import jax
    _d = setup_inputs()
    print(jax.jit(kernel)(*tuple(_d.values())))

</pallas_src>

<mosaic_0001>
#map = affine_map<(d0, d1) -> (0, 0)>
module attributes {stable_mosaic.version = 14 : i64} {
  func.func @gather_kernel(%arg0: i32, %arg1: i32, %arg2: memref<32x512xi32, #tpu.memory_space<hbm>>, %arg3: memref<32x512xi32, #tpu.memory_space<hbm>>, %arg4: memref<1000000x128xf32, #tpu.memory_space<hbm>>, %arg5: memref<16384x128xf32, #tpu.memory_space<hbm>>, %arg6: memref<16384x128xf32, #tpu.memory_space<hbm>>, %arg7: memref<512xi32, #tpu.memory_space<vmem>>, %arg8: memref<512xi32, #tpu.memory_space<vmem>>, %arg9: memref<256x128xf32, #tpu.memory_space<vmem>>, %arg10: memref<256x128xf32, #tpu.memory_space<vmem>>, %arg11: memref<!tpu.dma_semaphore, #tpu.memory_space<semaphore_mem>>, %arg12: memref<!tpu.dma_semaphore, #tpu.memory_space<semaphore_mem>>) attributes {dimension_semantics = [#tpu.dimension_semantics<core_parallel>, #tpu.dimension_semantics<subcore_parallel>], iteration_bounds = array<i64: 2, 16>, scalar_prefetch = 0 : i64, scratch_operands = 6 : i64, tpu.core_type = #tpu.core_type<sc_vector_subcore>, window_params = [{transform_indices = #map}, {transform_indices = #map}, {transform_indices = #map}, {transform_indices = #map}, {transform_indices = #map}]} {
    %mul3A = arith.constant 2 : i32
    %mul3A_0 = arith.muli %arg1, %mul3A : i32
    %add3A = arith.addi %mul3A_0, %arg0 : i32
    %mul3A_1 = arith.constant 512 : i32
    %mul3A_2 = arith.muli %add3A, %mul3A_1 : i32
    "tpu.region"() ({
      %run_scoped3A = tpu.sem_alloc : memref<!tpu.dma_semaphore, #tpu.memory_space<semaphore_mem>>
      %dma_start3A_305 = arith.constant 0 : i32
      %dma_start3A_306 = tpu.memref_slice %arg2[%add3A, %dma_start3A_305] : memref<32x512xi32, #tpu.memory_space<hbm>> -> memref<1x512xi32, #tpu.memory_space<hbm>>
      %dma_start3A_307 = tpu.memref_squeeze %dma_start3A_306 : memref<1x512xi32, #tpu.memory_space<hbm>> -> memref<512xi32, #tpu.memory_space<hbm>>
      %dma_start3A_308 = arith.constant 0 : i32
      %dma_start3A_309 = tpu.memref_slice %arg2[%add3A, %dma_start3A_308] : memref<32x512xi32, #tpu.memory_space<hbm>> -> memref<1x512xi32, #tpu.memory_space<hbm>>
      %dma_start3A_310 = tpu.memref_squeeze %dma_start3A_309 : memref<1x512xi32, #tpu.memory_space<hbm>> -> memref<512xi32, #tpu.memory_space<hbm>>
      tpu.enqueue_dma source(%dma_start3A_310 : memref<512xi32, #tpu.memory_space<hbm>>) target(%arg7 : memref<512xi32, #tpu.memory_space<vmem>>) target_semaphore(%run_scoped3A : memref<!tpu.dma_semaphore, #tpu.memory_space<semaphore_mem>>)
      %dma_wait3A_311 = arith.constant 0 : i32
      %dma_wait3A_312 = tpu.memref_slice %arg2[%add3A, %dma_wait3A_311] : memref<32x512xi32, #tpu.memory_space<hbm>> -> memref<1x512xi32, #tpu.memory_space<hbm>>
      %dma_wait3A_313 = tpu.memref_squeeze %dma_wait3A_312 : memref<1x512xi32, #tpu.memory_space<hbm>> -> memref<512xi32, #tpu.memory_space<hbm>>
      %dma_wait3A_314 = arith.constant 0 : i32
      %dma_wait3A_315 = tpu.memref_slice %arg2[%add3A, %dma_wait3A_314] : memref<32x512xi32, #tpu.memory_space<hbm>> -> memref<1x512xi32, #tpu.memory_space<hbm>>
      %dma_wait3A_316 = tpu.memref_squeeze %dma_wait3A_315 : memref<1x512xi32, #tpu.memory_space<hbm>> -> memref<512xi32, #tpu.memory_space<hbm>>
      tpu.wait_dma2 semaphore(%run_scoped3A : memref<!tpu.dma_semaphore, #tpu.memory_space<semaphore_mem>>) src(%dma_wait3A_316 : memref<512xi32, #tpu.memory_space<hbm>>) dst(%arg7 : memref<512xi32, #tpu.memory_space<vmem>>)
      tpu.yield
    }) : () -> ()
    "tpu.region"() ({
      %run_scoped3A = tpu.sem_alloc : memref<!tpu.dma_semaphore, #tpu.memory_space<semaphore_mem>>
      %dma_start3A_305 = arith.constant 0 : i32
      %dma_start3A_306 = tpu.memref_slice %arg3[%add3A, %dma_start3A_305] : memref<32x512xi32, #tpu.memory_space<hbm>> -> memref<1x512xi32, #tpu.memory_space<hbm>>
      %dma_start3A_307 = tpu.memref_squeeze %dma_start3A_306 : memref<1x512xi32, #tpu.memory_space<hbm>> -> memref<512xi32, #tpu.memory_space<hbm>>
      %dma_start3A_308 = arith.constant 0 : i32
      %dma_start3A_309 = tpu.memref_slice %arg3[%add3A, %dma_start3A_308] : memref<32x512xi32, #tpu.memory_space<hbm>> -> memref<1x512xi32, #tpu.memory_space<hbm>>
      %dma_start3A_310 = tpu.memref_squeeze %dma_start3A_309 : memref<1x512xi32, #tpu.memory_space<hbm>> -> memref<512xi32, #tpu.memory_space<hbm>>
      tpu.enqueue_dma source(%dma_start3A_310 : memref<512xi32, #tpu.memory_space<hbm>>) target(%arg8 : memref<512xi32, #tpu.memory_space<vmem>>) target_semaphore(%run_scoped3A : memref<!tpu.dma_semaphore, #tpu.memory_space<semaphore_mem>>)
      %dma_wait3A_311 = arith.constant 0 : i32
      %dma_wait3A_312 = tpu.memref_slice %arg3[%add3A, %dma_wait3A_311] : memref<32x512xi32, #tpu.memory_space<hbm>> -> memref<1x512xi32, #tpu.memory_space<hbm>>
      %dma_wait3A_313 = tpu.memref_squeeze %dma_wait3A_312 : memref<1x512xi32, #tpu.memory_space<hbm>> -> memref<512xi32, #tpu.memory_space<hbm>>
      %dma_wait3A_314 = arith.constant 0 : i32
      %dma_wait3A_315 = tpu.memref_slice %arg3[%add3A, %dma_wait3A_314] : memref<32x512xi32, #tpu.memory_space<hbm>> -> memref<1x512xi32, #tpu.memory_space<hbm>>
      %dma_wait3A_316 = tpu.memref_squeeze %dma_wait3A_315 : memref<1x512xi32, #tpu.memory_space<hbm>> -> memref<512xi32, #tpu.memory_space<hbm>>
      tpu.wait_dma2 semaphore(%run_scoped3A : memref<!tpu.dma_semaphore, #tpu.memory_space<semaphore_mem>>) src(%dma_wait3A_316 : memref<512xi32, #tpu.memory_space<hbm>>) dst(%arg8 : memref<512xi32, #tpu.memory_space<vmem>>)
      tpu.yield
    }) : () -> ()
    %dma_start3A = arith.constant 0 : i32
    %dma_start3A_3 = arith.constant 0 : i32
    %dma_start3A_4 = tpu.memref_slice %arg9[%dma_start3A, %dma_start3A_3] : memref<256x128xf32, #tpu.memory_space<vmem>> -> memref<128x128xf32, #tpu.memory_space<vmem>>
    %dma_start3A_5 = arith.constant 0 : i32
    %dma_start3A_6 = tpu.memref_slice %arg7[%dma_start3A_5] : memref<512xi32, #tpu.memory_space<vmem>> -> memref<128xi32, #tpu.memory_space<vmem>>
    %dma_start3A_7 = arith.constant 0 : i32
    %dma_start3A_8 = arith.constant 0 : i32
    %dma_start3A_9 = tpu.memref_slice %arg4[%dma_start3A_7, %dma_start3A_8] : memref<1000000x128xf32, #tpu.memory_space<hbm>> -> memref<1000000x128xf32, #tpu.memory_space<hbm>>
    tpu.enqueue_indirect_dma source(%dma_start3A_9 : memref<1000000x128xf32, #tpu.memory_space<hbm>>) target(%dma_start3A_4 : memref<128x128xf32, #tpu.memory_space<vmem>>) offsets(%dma_start3A_6 : memref<128xi32, #tpu.memory_space<vmem>>) semaphore(%arg11 : memref<!tpu.dma_semaphore, #tpu.memory_space<semaphore_mem>>)
    %dma_start3A_10 = arith.constant 0 : i32
    %dma_start3A_11 = arith.constant 0 : i32
    %dma_start3A_12 = tpu.memref_slice %arg10[%dma_start3A_10, %dma_start3A_11] : memref<256x128xf32, #tpu.memory_space<vmem>> -> memref<128x128xf32, #tpu.memory_space<vmem>>
    %dma_start3A_13 = arith.constant 0 : i32
    %dma_start3A_14 = tpu.memref_slice %arg8[%dma_start3A_13] : memref<512xi32, #tpu.memory_space<vmem>> -> memref<128xi32, #tpu.memory_space<vmem>>
    %dma_start3A_15 = arith.constant 0 : i32
    %dma_start3A_16 = arith.constant 0 : i32
    %dma_start3A_17 = tpu.memref_slice %arg4[%dma_start3A_15, %dma_start3A_16] : memref<1000000x128xf32, #tpu.memory_space<hbm>> -> memref<1000000x128xf32, #tpu.memory_space<hbm>>
    tpu.enqueue_indirect_dma source(%dma_start3A_17 : memref<1000000x128xf32, #tpu.memory_space<hbm>>) target(%dma_start3A_12 : memref<128x128xf32, #tpu.memory_space<vmem>>) offsets(%dma_start3A_14 : memref<128xi32, #tpu.memory_space<vmem>>) semaphore(%arg11 : memref<!tpu.dma_semaphore, #tpu.memory_space<semaphore_mem>>)
    %dma_start3A_18 = arith.constant 128 : i32
    %dma_start3A_19 = arith.constant 0 : i32
    %dma_start3A_20 = tpu.memref_slice %arg9[%dma_start3A_18, %dma_start3A_19] : memref<256x128xf32, #tpu.memory_space<vmem>> -> memref<128x128xf32, #tpu.memory_space<vmem>>
    %dma_start3A_21 = arith.constant 128 : i32
    %dma_start3A_22 = tpu.memref_slice %arg7[%dma_start3A_21] : memref<512xi32, #tpu.memory_space<vmem>> -> memref<128xi32, #tpu.memory_space<vmem>>
    %dma_start3A_23 = arith.constant 0 : i32
    %dma_start3A_24 = arith.constant 0 : i32
    %dma_start3A_25 = tpu.memref_slice %arg4[%dma_start3A_23, %dma_start3A_24] : memref<1000000x128xf32, #tpu.memory_space<hbm>> -> memref<1000000x128xf32, #tpu.memory_space<hbm>>
    tpu.enqueue_indirect_dma source(%dma_start3A_25 : memref<1000000x128xf32, #tpu.memory_space<hbm>>) target(%dma_start3A_20 : memref<128x128xf32, #tpu.memory_space<vmem>>) offsets(%dma_start3A_22 : memref<128xi32, #tpu.memory_space<vmem>>) semaphore(%arg11 : memref<!tpu.dma_semaphore, #tpu.memory_space<semaphore_mem>>)
    %dma_start3A_26 = arith.constant 128 : i32
    %dma_start3A_27 = arith.constant 0 : i32
    %dma_start3A_28 = tpu.memref_slice %arg10[%dma_start3A_26, %dma_start3A_27] : memref<256x128xf32, #tpu.memory_space<vmem>> -> memref<128x128xf32, #tpu.memory_space<vmem>>
    %dma_start3A_29 = arith.constant 128 : i32
    %dma_start3A_30 = tpu.memref_slice %arg8[%dma_start3A_29] : memref<512xi32, #tpu.memory_space<vmem>> -> memref<128xi32, #tpu.memory_space<vmem>>
    %dma_start3A_31 = arith.constant 0 : i32
    %dma_start3A_32 = arith.constant 0 : i32
    %dma_start3A_33 = tpu.memref_slice %arg4[%dma_start3A_31, %dma_start3A_32] : memref<1000000x128xf32, #tpu.memory_space<hbm>> -> memref<1000000x128xf32, #tpu.memory_space<hbm>>
    tpu.enqueue_indirect_dma source(%dma_start3A_33 : memref<1000000x128xf32, #tpu.memory_space<hbm>>) target(%dma_start3A_28 : memref<128x128xf32, #tpu.memory_space<vmem>>) offsets(%dma_start3A_30 : memref<128xi32, #tpu.memory_space<vmem>>) semaphore(%arg11 : memref<!tpu.dma_semaphore, #tpu.memory_space<semaphore_mem>>)
    %dma_wait3A = arith.constant 0 : i32
    %dma_wait3A_34 = arith.constant 0 : i32
    %dma_wait3A_35 = tpu.memref_slice %arg9[%dma_wait3A, %dma_wait3A_34] : memref<256x128xf32, #tpu.memory_space<vmem>> -> memref<128x128xf32, #tpu.memory_space<vmem>>
    %dma_wait3A_36 = arith.constant 0 : i32
    %dma_wait3A_37 = tpu.memref_slice %arg7[%dma_wait3A_36] : memref<512xi32, #tpu.memory_space<vmem>> -> memref<128xi32, #tpu.memory_space<vmem>>
    %dma_wait3A_38 = arith.constant 0 : i32
    %dma_wait3A_39 = arith.constant 0 : i32
    %dma_wait3A_40 = tpu.memref_slice %arg4[%dma_wait3A_38, %dma_wait3A_39] : memref<1000000x128xf32, #tpu.memory_space<hbm>> -> memref<1000000x128xf32, #tpu.memory_space<hbm>>
    tpu.wait_indirect_dma semaphore(%arg11 : memref<!tpu.dma_semaphore, #tpu.memory_space<semaphore_mem>>) src(%dma_wait3A_40 : memref<1000000x128xf32, #tpu.memory_space<hbm>>) dst(%dma_wait3A_35 : memref<128x128xf32, #tpu.memory_space<vmem>>)
    %add3A_41 = arith.constant 0 : i32
    %add3A_42 = arith.addi %mul3A_2, %add3A_41 : i32
    %dma_start3A_43 = arith.constant 0 : i32
    %dma_start3A_44 = arith.constant 0 : i32
    %dma_start3A_45 = tpu.memref_slice %arg9[%dma_start3A_43, %dma_start3A_44] : memref<256x128xf32, #tpu.memory_space<vmem>> -> memref<128x128xf32, #tpu.memory_space<vmem>>
    %dma_start3A_46 = arith.constant 0 : i32
    %dma_start3A_47 = tpu.memref_slice %arg5[%add3A_42, %dma_start3A_46] : memref<16384x128xf32, #tpu.memory_space<hbm>> -> memref<128x128xf32, #tpu.memory_space<hbm>>
    %dma_start3A_48 = arith.constant 0 : i32
    %dma_start3A_49 = tpu.memref_slice %arg5[%add3A_42, %dma_start3A_48] : memref<16384x128xf32, #tpu.memory_space<hbm>> -> memref<128x128xf32, #tpu.memory_space<hbm>>
    %dma_start3A_50 = arith.constant 0 : i32
    %dma_start3A_51 = arith.constant 0 : i32
    %dma_start3A_52 = tpu.memref_slice %arg9[%dma_start3A_50, %dma_start3A_51] : memref<256x128xf32, #tpu.memory_space<vmem>> -> memref<128x128xf32, #tpu.memory_space<vmem>>
    tpu.enqueue_dma source(%dma_start3A_52 : memref<128x128xf32, #tpu.memory_space<vmem>>) target(%dma_start3A_49 : memref<128x128xf32, #tpu.memory_space<hbm>>) target_semaphore(%arg12 : memref<!tpu.dma_semaphore, #tpu.memory_space<semaphore_mem>>)
    %dma_wait3A_53 = arith.constant 0 : i32
    %dma_wait3A_54 = arith.constant 0 : i32
    %dma_wait3A_55 = tpu.memref_slice %arg9[%dma_wait3A_53, %dma_wait3A_54] : memref<256x128xf32, #tpu.memory_space<vmem>> -> memref<128x128xf32, #tpu.memory_space<vmem>>
    %dma_wait3A_56 = arith.constant 0 : i32
    %dma_wait3A_57 = tpu.memref_slice %arg5[%add3A_42, %dma_wait3A_56] : memref<16384x128xf32, #tpu.memory_space<hbm>> -> memref<128x128xf32, #tpu.memory_space<hbm>>
    %dma_wait3A_58 = arith.constant 0 : i32
    %dma_wait3A_59 = tpu.memref_slice %arg5[%add3A_42, %dma_wait3A_58] : memref<16384x128xf32, #tpu.memory_space<hbm>> -> memref<128x128xf32, #tpu.memory_space<hbm>>
    %dma_wait3A_60 = arith.constant 0 : i32
    %dma_wait3A_61 = arith.constant 0 : i32
    %dma_wait3A_62 = tpu.memref_slice %arg9[%dma_wait3A_60, %dma_wait3A_61] : memref<256x128xf32, #tpu.memory_space<vmem>> -> memref<128x128xf32, #tpu.memory_space<vmem>>
    tpu.wait_dma2 semaphore(%arg12 : memref<!tpu.dma_semaphore, #tpu.memory_space<semaphore_mem>>) src(%dma_wait3A_62 : memref<128x128xf32, #tpu.memory_space<vmem>>) dst(%dma_wait3A_59 : memref<128x128xf32, #tpu.memory_space<hbm>>)
    %dma_start3A_63 = arith.constant 0 : i32
    %dma_start3A_64 = arith.constant 0 : i32
    %dma_start3A_65 = tpu.memref_slice %arg9[%dma_start3A_63, %dma_start3A_64] : memref<256x128xf32, #tpu.memory_space<vmem>> -> memref<128x128xf32, #tpu.memory_space<vmem>>
    %dma_start3A_66 = arith.constant 256 : i32
    %dma_start3A_67 = tpu.memref_slice %arg7[%dma_start3A_66] : memref<512xi32, #tpu.memory_space<vmem>> -> memref<128xi32, #tpu.memory_space<vmem>>
    %dma_start3A_68 = arith.constant 0 : i32
    %dma_start3A_69 = arith.constant 0 : i32
    %dma_start3A_70 = tpu.memref_slice %arg4[%dma_start3A_68, %dma_start3A_69] : memref<1000000x128xf32, #tpu.memory_space<hbm>> -> memref<1000000x128xf32, #tpu.memory_space<hbm>>
    tpu.enqueue_indirect_dma source(%dma_start3A_70 : memref<1000000x128xf32, #tpu.memory_space<hbm>>) target(%dma_start3A_65 : memref<128x128xf32, #tpu.memory_space<vmem>>) offsets(%dma_start3A_67 : memref<128xi32, #tpu.memory_space<vmem>>) semaphore(%arg11 : memref<!tpu.dma_semaphore, #tpu.memory_space<semaphore_mem>>)
    %dma_wait3A_71 = arith.constant 0 : i32
    %dma_wait3A_72 = arith.constant 0 : i32
    %dma_wait3A_73 = tpu.memref_slice %arg10[%dma_wait3A_71, %dma_wait3A_72] : memref<256x128xf32, #tpu.memory_space<vmem>> -> memref<128x128xf32, #tpu.memory_space<vmem>>
    %dma_wait3A_74 = arith.constant 0 : i32
    %dma_wait3A_75 = tpu.memref_slice %arg8[%dma_wait3A_74] : memref<512xi32, #tpu.memory_space<vmem>> -> memref<128xi32, #tpu.memory_space<vmem>>
    %dma_wait3A_76 = arith.constant 0 : i32
    %dma_wait3A_77 = arith.constant 0 : i32
    %dma_wait3A_78 = tpu.memref_slice %arg4[%dma_wait3A_76, %dma_wait3A_77] : memref<1000000x128xf32, #tpu.memory_space<hbm>> -> memref<1000000x128xf32, #tpu.memory_space<hbm>>
    tpu.wait_indirect_dma semaphore(%arg11 : memref<!tpu.dma_semaphore, #tpu.memory_space<semaphore_mem>>) src(%dma_wait3A_78 : memref<1000000x128xf32, #tpu.memory_space<hbm>>) dst(%dma_wait3A_73 : memref<128x128xf32, #tpu.memory_space<vmem>>)
    %add3A_79 = arith.constant 0 : i32
    %add3A_80 = arith.addi %mul3A_2, %add3A_79 : i32
    %dma_start3A_81 = arith.constant 0 : i32
    %dma_start3A_82 = arith.constant 0 : i32
    %dma_start3A_83 = tpu.memref_slice %arg10[%dma_start3A_81, %dma_start3A_82] : memref<256x128xf32, #tpu.memory_space<vmem>> -> memref<128x128xf32, #tpu.memory_space<vmem>>
    %dma_start3A_84 = arith.constant 0 : i32
    %dma_start3A_85 = tpu.memref_slice %arg6[%add3A_80, %dma_start3A_84] : memref<16384x128xf32, #tpu.memory_space<hbm>> -> memref<128x128xf32, #tpu.memory_space<hbm>>
    %dma_start3A_86 = arith.constant 0 : i32
    %dma_start3A_87 = tpu.memref_slice %arg6[%add3A_80, %dma_start3A_86] : memref<16384x128xf32, #tpu.memory_space<hbm>> -> memref<128x128xf32, #tpu.memory_space<hbm>>
    %dma_start3A_88 = arith.constant 0 : i32
    %dma_start3A_89 = arith.constant 0 : i32
    %dma_start3A_90 = tpu.memref_slice %arg10[%dma_start3A_88, %dma_start3A_89] : memref<256x128xf32, #tpu.memory_space<vmem>> -> memref<128x128xf32, #tpu.memory_space<vmem>>
    tpu.enqueue_dma source(%dma_start3A_90 : memref<128x128xf32, #tpu.memory_space<vmem>>) target(%dma_start3A_87 : memref<128x128xf32, #tpu.memory_space<hbm>>) target_semaphore(%arg12 : memref<!tpu.dma_semaphore, #tpu.memory_space<semaphore_mem>>)
    %dma_wait3A_91 = arith.constant 0 : i32
    %dma_wait3A_92 = arith.constant 0 : i32
    %dma_wait3A_93 = tpu.memref_slice %arg10[%dma_wait3A_91, %dma_wait3A_92] : memref<256x128xf32, #tpu.memory_space<vmem>> -> memref<128x128xf32, #tpu.memory_space<vmem>>
    %dma_wait3A_94 = arith.constant 0 : i32
    %dma_wait3A_95 = tpu.memref_slice %arg6[%add3A_80, %dma_wait3A_94] : memref<16384x128xf32, #tpu.memory_space<hbm>> -> memref<128x128xf32, #tpu.memory_space<hbm>>
    %dma_wait3A_96 = arith.constant 0 : i32
    %dma_wait3A_97 = tpu.memref_slice %arg6[%add3A_80, %dma_wait3A_96] : memref<16384x128xf32, #tpu.memory_space<hbm>> -> memref<128x128xf32, #tpu.memory_space<hbm>>
    %dma_wait3A_98 = arith.constant 0 : i32
    %dma_wait3A_99 = arith.constant 0 : i32
    %dma_wait3A_100 = tpu.memref_slice %arg10[%dma_wait3A_98, %dma_wait3A_99] : memref<256x128xf32, #tpu.memory_space<vmem>> -> memref<128x128xf32, #tpu.memory_space<vmem>>
    tpu.wait_dma2 semaphore(%arg12 : memref<!tpu.dma_semaphore, #tpu.memory_space<semaphore_mem>>) src(%dma_wait3A_100 : memref<128x128xf32, #tpu.memory_space<vmem>>) dst(%dma_wait3A_97 : memref<128x128xf32, #tpu.memory_space<hbm>>)
    %dma_start3A_101 = arith.constant 0 : i32
    %dma_start3A_102 = arith.constant 0 : i32
    %dma_start3A_103 = tpu.memref_slice %arg10[%dma_start3A_101, %dma_start3A_102] : memref<256x128xf32, #tpu.memory_space<vmem>> -> memref<128x128xf32, #tpu.memory_space<vmem>>
    %dma_start3A_104 = arith.constant 256 : i32
    %dma_start3A_105 = tpu.memref_slice %arg8[%dma_start3A_104] : memref<512xi32, #tpu.memory_space<vmem>> -> memref<128xi32, #tpu.memory_space<vmem>>
    %dma_start3A_106 = arith.constant 0 : i32
    %dma_start3A_107 = arith.constant 0 : i32
    %dma_start3A_108 = tpu.memref_slice %arg4[%dma_start3A_106, %dma_start3A_107] : memref<1000000x128xf32, #tpu.memory_space<hbm>> -> memref<1000000x128xf32, #tpu.memory_space<hbm>>
    tpu.enqueue_indirect_dma source(%dma_start3A_108 : memref<1000000x128xf32, #tpu.memory_space<hbm>>) target(%dma_start3A_103 : memref<128x128xf32, #tpu.memory_space<vmem>>) offsets(%dma_start3A_105 : memref<128xi32, #tpu.memory_space<vmem>>) semaphore(%arg11 : memref<!tpu.dma_semaphore, #tpu.memory_space<semaphore_mem>>)
    %dma_wait3A_109 = arith.constant 128 : i32
    %dma_wait3A_110 = arith.constant 0 : i32
    %dma_wait3A_111 = tpu.memref_slice %arg9[%dma_wait3A_109, %dma_wait3A_110] : memref<256x128xf32, #tpu.memory_space<vmem>> -> memref<128x128xf32, #tpu.memory_space<vmem>>
    %dma_wait3A_112 = arith.constant 128 : i32
    %dma_wait3A_113 = tpu.memref_slice %arg7[%dma_wait3A_112] : memref<512xi32, #tpu.memory_space<vmem>> -> memref<128xi32, #tpu.memory_space<vmem>>
    %dma_wait3A_114 = arith.constant 0 : i32
    %dma_wait3A_115 = arith.constant 0 : i32
    %dma_wait3A_116 = tpu.memref_slice %arg4[%dma_wait3A_114, %dma_wait3A_115] : memref<1000000x128xf32, #tpu.memory_space<hbm>> -> memref<1000000x128xf32, #tpu.memory_space<hbm>>
    tpu.wait_indirect_dma semaphore(%arg11 : memref<!tpu.dma_semaphore, #tpu.memory_space<semaphore_mem>>) src(%dma_wait3A_116 : memref<1000000x128xf32, #tpu.memory_space<hbm>>) dst(%dma_wait3A_111 : memref<128x128xf32, #tpu.memory_space<vmem>>)
    %add3A_117 = arith.constant 128 : i32
    %add3A_118 = arith.addi %mul3A_2, %add3A_117 : i32
    %dma_start3A_119 = arith.constant 128 : i32
    %dma_start3A_120 = arith.constant 0 : i32
    %dma_start3A_121 = tpu.memref_slice %arg9[%dma_start3A_119, %dma_start3A_120] : memref<256x128xf32, #tpu.memory_space<vmem>> -> memref<128x128xf32, #tpu.memory_space<vmem>>
    %dma_start3A_122 = arith.constant 0 : i32
    %dma_start3A_123 = tpu.memref_slice %arg5[%add3A_118, %dma_start3A_122] : memref<16384x128xf32, #tpu.memory_space<hbm>> -> memref<128x128xf32, #tpu.memory_space<hbm>>
    %dma_start3A_124 = arith.constant 0 : i32
    %dma_start3A_125 = tpu.memref_slice %arg5[%add3A_118, %dma_start3A_124] : memref<16384x128xf32, #tpu.memory_space<hbm>> -> memref<128x128xf32, #tpu.memory_space<hbm>>
    %dma_start3A_126 = arith.constant 128 : i32
    %dma_start3A_127 = arith.constant 0 : i32
    %dma_start3A_128 = tpu.memref_slice %arg9[%dma_start3A_126, %dma_start3A_127] : memref<256x128xf32, #tpu.memory_space<vmem>> -> memref<128x128xf32, #tpu.memory_space<vmem>>
    tpu.enqueue_dma source(%dma_start3A_128 : memref<128x128xf32, #tpu.memory_space<vmem>>) target(%dma_start3A_125 : memref<128x128xf32, #tpu.memory_space<hbm>>) target_semaphore(%arg12 : memref<!tpu.dma_semaphore, #tpu.memory_space<semaphore_mem>>)
    %dma_wait3A_129 = arith.constant 128 : i32
    %dma_wait3A_130 = arith.constant 0 : i32
    %dma_wait3A_131 = tpu.memref_slice %arg9[%dma_wait3A_129, %dma_wait3A_130] : memref<256x128xf32, #tpu.memory_space<vmem>> -> memref<128x128xf32, #tpu.memory_space<vmem>>
    %dma_wait3A_132 = arith.constant 0 : i32
    %dma_wait3A_133 = tpu.memref_slice %arg5[%add3A_118, %dma_wait3A_132] : memref<16384x128xf32, #tpu.memory_space<hbm>> -> memref<128x128xf32, #tpu.memory_space<hbm>>
    %dma_wait3A_134 = arith.constant 0 : i32
    %dma_wait3A_135 = tpu.memref_slice %arg5[%add3A_118, %dma_wait3A_134] : memref<16384x128xf32, #tpu.memory_space<hbm>> -> memref<128x128xf32, #tpu.memory_space<hbm>>
    %dma_wait3A_136 = arith.constant 128 : i32
    %dma_wait3A_137 = arith.constant 0 : i32
    %dma_wait3A_138 = tpu.memref_slice %arg9[%dma_wait3A_136, %dma_wait3A_137] : memref<256x128xf32, #tpu.memory_space<vmem>> -> memref<128x128xf32, #tpu.memory_space<vmem>>
    tpu.wait_dma2 semaphore(%arg12 : memref<!tpu.dma_semaphore, #tpu.memory_space<semaphore_mem>>) src(%dma_wait3A_138 : memref<128x128xf32, #tpu.memory_space<vmem>>) dst(%dma_wait3A_135 : memref<128x128xf32, #tpu.memory_space<hbm>>)
    %dma_start3A_139 = arith.constant 128 : i32
    %dma_start3A_140 = arith.constant 0 : i32
    %dma_start3A_141 = tpu.memref_slice %arg9[%dma_start3A_139, %dma_start3A_140] : memref<256x128xf32, #tpu.memory_space<vmem>> -> memref<128x128xf32, #tpu.memory_space<vmem>>
    %dma_start3A_142 = arith.constant 384 : i32
    %dma_start3A_143 = tpu.memref_slice %arg7[%dma_start3A_142] : memref<512xi32, #tpu.memory_space<vmem>> -> memref<128xi32, #tpu.memory_space<vmem>>
    %dma_start3A_144 = arith.constant 0 : i32
    %dma_start3A_145 = arith.constant 0 : i32
    %dma_start3A_146 = tpu.memref_slice %arg4[%dma_start3A_144, %dma_start3A_145] : memref<1000000x128xf32, #tpu.memory_space<hbm>> -> memref<1000000x128xf32, #tpu.memory_space<hbm>>
    tpu.enqueue_indirect_dma source(%dma_start3A_146 : memref<1000000x128xf32, #tpu.memory_space<hbm>>) target(%dma_start3A_141 : memref<128x128xf32, #tpu.memory_space<vmem>>) offsets(%dma_start3A_143 : memref<128xi32, #tpu.memory_space<vmem>>) semaphore(%arg11 : memref<!tpu.dma_semaphore, #tpu.memory_space<semaphore_mem>>)
    %dma_wait3A_147 = arith.constant 128 : i32
    %dma_wait3A_148 = arith.constant 0 : i32
    %dma_wait3A_149 = tpu.memref_slice %arg10[%dma_wait3A_147, %dma_wait3A_148] : memref<256x128xf32, #tpu.memory_space<vmem>> -> memref<128x128xf32, #tpu.memory_space<vmem>>
    %dma_wait3A_150 = arith.constant 128 : i32
    %dma_wait3A_151 = tpu.memref_slice %arg8[%dma_wait3A_150] : memref<512xi32, #tpu.memory_space<vmem>> -> memref<128xi32, #tpu.memory_space<vmem>>
    %dma_wait3A_152 = arith.constant 0 : i32
    %dma_wait3A_153 = arith.constant 0 : i32
    %dma_wait3A_154 = tpu.memref_slice %arg4[%dma_wait3A_152, %dma_wait3A_153] : memref<1000000x128xf32, #tpu.memory_space<hbm>> -> memref<1000000x128xf32, #tpu.memory_space<hbm>>
    tpu.wait_indirect_dma semaphore(%arg11 : memref<!tpu.dma_semaphore, #tpu.memory_space<semaphore_mem>>) src(%dma_wait3A_154 : memref<1000000x128xf32, #tpu.memory_space<hbm>>) dst(%dma_wait3A_149 : memref<128x128xf32, #tpu.memory_space<vmem>>)
    %add3A_155 = arith.constant 128 : i32
    %add3A_156 = arith.addi %mul3A_2, %add3A_155 : i32
    %dma_start3A_157 = arith.constant 128 : i32
    %dma_start3A_158 = arith.constant 0 : i32
    %dma_start3A_159 = tpu.memref_slice %arg10[%dma_start3A_157, %dma_start3A_158] : memref<256x128xf32, #tpu.memory_space<vmem>> -> memref<128x128xf32, #tpu.memory_space<vmem>>
    %dma_start3A_160 = arith.constant 0 : i32
    %dma_start3A_161 = tpu.memref_slice %arg6[%add3A_156, %dma_start3A_160] : memref<16384x128xf32, #tpu.memory_space<hbm>> -> memref<128x128xf32, #tpu.memory_space<hbm>>
    %dma_start3A_162 = arith.constant 0 : i32
    %dma_start3A_163 = tpu.memref_slice %arg6[%add3A_156, %dma_start3A_162] : memref<16384x128xf32, #tpu.memory_space<hbm>> -> memref<128x128xf32, #tpu.memory_space<hbm>>
    %dma_start3A_164 = arith.constant 128 : i32
    %dma_start3A_165 = arith.constant 0 : i32
    %dma_start3A_166 = tpu.memref_slice %arg10[%dma_start3A_164, %dma_start3A_165] : memref<256x128xf32, #tpu.memory_space<vmem>> -> memref<128x128xf32, #tpu.memory_space<vmem>>
    tpu.enqueue_dma source(%dma_start3A_166 : memref<128x128xf32, #tpu.memory_space<vmem>>) target(%dma_start3A_163 : memref<128x128xf32, #tpu.memory_space<hbm>>) target_semaphore(%arg12 : memref<!tpu.dma_semaphore, #tpu.memory_space<semaphore_mem>>)
    %dma_wait3A_167 = arith.constant 128 : i32
    %dma_wait3A_168 = arith.constant 0 : i32
    %dma_wait3A_169 = tpu.memref_slice %arg10[%dma_wait3A_167, %dma_wait3A_168] : memref<256x128xf32, #tpu.memory_space<vmem>> -> memref<128x128xf32, #tpu.memory_space<vmem>>
    %dma_wait3A_170 = arith.constant 0 : i32
    %dma_wait3A_171 = tpu.memref_slice %arg6[%add3A_156, %dma_wait3A_170] : memref<16384x128xf32, #tpu.memory_space<hbm>> -> memref<128x128xf32, #tpu.memory_space<hbm>>
    %dma_wait3A_172 = arith.constant 0 : i32
    %dma_wait3A_173 = tpu.memref_slice %arg6[%add3A_156, %dma_wait3A_172] : memref<16384x128xf32, #tpu.memory_space<hbm>> -> memref<128x128xf32, #tpu.memory_space<hbm>>
    %dma_wait3A_174 = arith.constant 128 : i32
    %dma_wait3A_175 = arith.constant 0 : i32
    %dma_wait3A_176 = tpu.memref_slice %arg10[%dma_wait3A_174, %dma_wait3A_175] : memref<256x128xf32, #tpu.memory_space<vmem>> -> memref<128x128xf32, #tpu.memory_space<vmem>>
    tpu.wait_dma2 semaphore(%arg12 : memref<!tpu.dma_semaphore, #tpu.memory_space<semaphore_mem>>) src(%dma_wait3A_176 : memref<128x128xf32, #tpu.memory_space<vmem>>) dst(%dma_wait3A_173 : memref<128x128xf32, #tpu.memory_space<hbm>>)
    %dma_start3A_177 = arith.constant 128 : i32
    %dma_start3A_178 = arith.constant 0 : i32
    %dma_start3A_179 = tpu.memref_slice %arg10[%dma_start3A_177, %dma_start3A_178] : memref<256x128xf32, #tpu.memory_space<vmem>> -> memref<128x128xf32, #tpu.memory_space<vmem>>
    %dma_start3A_180 = arith.constant 384 : i32
    %dma_start3A_181 = tpu.memref_slice %arg8[%dma_start3A_180] : memref<512xi32, #tpu.memory_space<vmem>> -> memref<128xi32, #tpu.memory_space<vmem>>
    %dma_start3A_182 = arith.constant 0 : i32
    %dma_start3A_183 = arith.constant 0 : i32
    %dma_start3A_184 = tpu.memref_slice %arg4[%dma_start3A_182, %dma_start3A_183] : memref<1000000x128xf32, #tpu.memory_space<hbm>> -> memref<1000000x128xf32, #tpu.memory_space<hbm>>
    tpu.enqueue_indirect_dma source(%dma_start3A_184 : memref<1000000x128xf32, #tpu.memory_space<hbm>>) target(%dma_start3A_179 : memref<128x128xf32, #tpu.memory_space<vmem>>) offsets(%dma_start3A_181 : memref<128xi32, #tpu.memory_space<vmem>>) semaphore(%arg11 : memref<!tpu.dma_semaphore, #tpu.memory_space<semaphore_mem>>)
    %dma_wait3A_185 = arith.constant 0 : i32
    %dma_wait3A_186 = arith.constant 0 : i32
    %dma_wait3A_187 = tpu.memref_slice %arg9[%dma_wait3A_185, %dma_wait3A_186] : memref<256x128xf32, #tpu.memory_space<vmem>> -> memref<128x128xf32, #tpu.memory_space<vmem>>
    %dma_wait3A_188 = arith.constant 256 : i32
    %dma_wait3A_189 = tpu.memref_slice %arg7[%dma_wait3A_188] : memref<512xi32, #tpu.memory_space<vmem>> -> memref<128xi32, #tpu.memory_space<vmem>>
    %dma_wait3A_190 = arith.constant 0 : i32
    %dma_wait3A_191 = arith.constant 0 : i32
    %dma_wait3A_192 = tpu.memref_slice %arg4[%dma_wait3A_190, %dma_wait3A_191] : memref<1000000x128xf32, #tpu.memory_space<hbm>> -> memref<1000000x128xf32, #tpu.memory_space<hbm>>
    tpu.wait_indirect_dma semaphore(%arg11 : memref<!tpu.dma_semaphore, #tpu.memory_space<semaphore_mem>>) src(%dma_wait3A_192 : memref<1000000x128xf32, #tpu.memory_space<hbm>>) dst(%dma_wait3A_187 : memref<128x128xf32, #tpu.memory_space<vmem>>)
    %add3A_193 = arith.constant 256 : i32
    %add3A_194 = arith.addi %mul3A_2, %add3A_193 : i32
    %dma_start3A_195 = arith.constant 0 : i32
    %dma_start3A_196 = arith.constant 0 : i32
    %dma_start3A_197 = tpu.memref_slice %arg9[%dma_start3A_195, %dma_start3A_196] : memref<256x128xf32, #tpu.memory_space<vmem>> -> memref<128x128xf32, #tpu.memory_space<vmem>>
    %dma_start3A_198 = arith.constant 0 : i32
    %dma_start3A_199 = tpu.memref_slice %arg5[%add3A_194, %dma_start3A_198] : memref<16384x128xf32, #tpu.memory_space<hbm>> -> memref<128x128xf32, #tpu.memory_space<hbm>>
    %dma_start3A_200 = arith.constant 0 : i32
    %dma_start3A_201 = tpu.memref_slice %arg5[%add3A_194, %dma_start3A_200] : memref<16384x128xf32, #tpu.memory_space<hbm>> -> memref<128x128xf32, #tpu.memory_space<hbm>>
    %dma_start3A_202 = arith.constant 0 : i32
    %dma_start3A_203 = arith.constant 0 : i32
    %dma_start3A_204 = tpu.memref_slice %arg9[%dma_start3A_202, %dma_start3A_203] : memref<256x128xf32, #tpu.memory_space<vmem>> -> memref<128x128xf32, #tpu.memory_space<vmem>>
    tpu.enqueue_dma source(%dma_start3A_204 : memref<128x128xf32, #tpu.memory_space<vmem>>) target(%dma_start3A_201 : memref<128x128xf32, #tpu.memory_space<hbm>>) target_semaphore(%arg12 : memref<!tpu.dma_semaphore, #tpu.memory_space<semaphore_mem>>)
    %dma_wait3A_205 = arith.constant 0 : i32
    %dma_wait3A_206 = arith.constant 0 : i32
    %dma_wait3A_207 = tpu.memref_slice %arg10[%dma_wait3A_205, %dma_wait3A_206] : memref<256x128xf32, #tpu.memory_space<vmem>> -> memref<128x128xf32, #tpu.memory_space<vmem>>
    %dma_wait3A_208 = arith.constant 256 : i32
    %dma_wait3A_209 = tpu.memref_slice %arg8[%dma_wait3A_208] : memref<512xi32, #tpu.memory_space<vmem>> -> memref<128xi32, #tpu.memory_space<vmem>>
    %dma_wait3A_210 = arith.constant 0 : i32
    %dma_wait3A_211 = arith.constant 0 : i32
    %dma_wait3A_212 = tpu.memref_slice %arg4[%dma_wait3A_210, %dma_wait3A_211] : memref<1000000x128xf32, #tpu.memory_space<hbm>> -> memref<1000000x128xf32, #tpu.memory_space<hbm>>
    tpu.wait_indirect_dma semaphore(%arg11 : memref<!tpu.dma_semaphore, #tpu.memory_space<semaphore_mem>>) src(%dma_wait3A_212 : memref<1000000x128xf32, #tpu.memory_space<hbm>>) dst(%dma_wait3A_207 : memref<128x128xf32, #tpu.memory_space<vmem>>)
    %add3A_213 = arith.constant 256 : i32
    %add3A_214 = arith.addi %mul3A_2, %add3A_213 : i32
    %dma_start3A_215 = arith.constant 0 : i32
    %dma_start3A_216 = arith.constant 0 : i32
    %dma_start3A_217 = tpu.memref_slice %arg10[%dma_start3A_215, %dma_start3A_216] : memref<256x128xf32, #tpu.memory_space<vmem>> -> memref<128x128xf32, #tpu.memory_space<vmem>>
    %dma_start3A_218 = arith.constant 0 : i32
    %dma_start3A_219 = tpu.memref_slice %arg6[%add3A_214, %dma_start3A_218] : memref<16384x128xf32, #tpu.memory_space<hbm>> -> memref<128x128xf32, #tpu.memory_space<hbm>>
    %dma_start3A_220 = arith.constant 0 : i32
    %dma_start3A_221 = tpu.memref_slice %arg6[%add3A_214, %dma_start3A_220] : memref<16384x128xf32, #tpu.memory_space<hbm>> -> memref<128x128xf32, #tpu.memory_space<hbm>>
    %dma_start3A_222 = arith.constant 0 : i32
    %dma_start3A_223 = arith.constant 0 : i32
    %dma_start3A_224 = tpu.memref_slice %arg10[%dma_start3A_222, %dma_start3A_223] : memref<256x128xf32, #tpu.memory_space<vmem>> -> memref<128x128xf32, #tpu.memory_space<vmem>>
    tpu.enqueue_dma source(%dma_start3A_224 : memref<128x128xf32, #tpu.memory_space<vmem>>) target(%dma_start3A_221 : memref<128x128xf32, #tpu.memory_space<hbm>>) target_semaphore(%arg12 : memref<!tpu.dma_semaphore, #tpu.memory_space<semaphore_mem>>)
    %dma_wait3A_225 = arith.constant 128 : i32
    %dma_wait3A_226 = arith.constant 0 : i32
    %dma_wait3A_227 = tpu.memref_slice %arg9[%dma_wait3A_225, %dma_wait3A_226] : memref<256x128xf32, #tpu.memory_space<vmem>> -> memref<128x128xf32, #tpu.memory_space<vmem>>
    %dma_wait3A_228 = arith.constant 384 : i32
    %dma_wait3A_229 = tpu.memref_slice %arg7[%dma_wait3A_228] : memref<512xi32, #tpu.memory_space<vmem>> -> memref<128xi32, #tpu.memory_space<vmem>>
    %dma_wait3A_230 = arith.constant 0 : i32
    %dma_wait3A_231 = arith.constant 0 : i32
    %dma_wait3A_232 = tpu.memref_slice %arg4[%dma_wait3A_230, %dma_wait3A_231] : memref<1000000x128xf32, #tpu.memory_space<hbm>> -> memref<1000000x128xf32, #tpu.memory_space<hbm>>
    tpu.wait_indirect_dma semaphore(%arg11 : memref<!tpu.dma_semaphore, #tpu.memory_space<semaphore_mem>>) src(%dma_wait3A_232 : memref<1000000x128xf32, #tpu.memory_space<hbm>>) dst(%dma_wait3A_227 : memref<128x128xf32, #tpu.memory_space<vmem>>)
    %add3A_233 = arith.constant 384 : i32
    %add3A_234 = arith.addi %mul3A_2, %add3A_233 : i32
    %dma_start3A_235 = arith.constant 128 : i32
    %dma_start3A_236 = arith.constant 0 : i32
    %dma_start3A_237 = tpu.memref_slice %arg9[%dma_start3A_235, %dma_start3A_236] : memref<256x128xf32, #tpu.memory_space<vmem>> -> memref<128x128xf32, #tpu.memory_space<vmem>>
    %dma_start3A_238 = arith.constant 0 : i32
    %dma_start3A_239 = tpu.memref_slice %arg5[%add3A_234, %dma_start3A_238] : memref<16384x128xf32, #tpu.memory_space<hbm>> -> memref<128x128xf32, #tpu.memory_space<hbm>>
    %dma_start3A_240 = arith.constant 0 : i32
    %dma_start3A_241 = tpu.memref_slice %arg5[%add3A_234, %dma_start3A_240] : memref<16384x128xf32, #tpu.memory_space<hbm>> -> memref<128x128xf32, #tpu.memory_space<hbm>>
    %dma_start3A_242 = arith.constant 128 : i32
    %dma_start3A_243 = arith.constant 0 : i32
    %dma_start3A_244 = tpu.memref_slice %arg9[%dma_start3A_242, %dma_start3A_243] : memref<256x128xf32, #tpu.memory_space<vmem>> -> memref<128x128xf32, #tpu.memory_space<vmem>>
    tpu.enqueue_dma source(%dma_start3A_244 : memref<128x128xf32, #tpu.memory_space<vmem>>) target(%dma_start3A_241 : memref<128x128xf32, #tpu.memory_space<hbm>>) target_semaphore(%arg12 : memref<!tpu.dma_semaphore, #tpu.memory_space<semaphore_mem>>)
    %dma_wait3A_245 = arith.constant 128 : i32
    %dma_wait3A_246 = arith.constant 0 : i32
    %dma_wait3A_247 = tpu.memref_slice %arg10[%dma_wait3A_245, %dma_wait3A_246] : memref<256x128xf32, #tpu.memory_space<vmem>> -> memref<128x128xf32, #tpu.memory_space<vmem>>
    %dma_wait3A_248 = arith.constant 384 : i32
    %dma_wait3A_249 = tpu.memref_slice %arg8[%dma_wait3A_248] : memref<512xi32, #tpu.memory_space<vmem>> -> memref<128xi32, #tpu.memory_space<vmem>>
    %dma_wait3A_250 = arith.constant 0 : i32
    %dma_wait3A_251 = arith.constant 0 : i32
    %dma_wait3A_252 = tpu.memref_slice %arg4[%dma_wait3A_250, %dma_wait3A_251] : memref<1000000x128xf32, #tpu.memory_space<hbm>> -> memref<1000000x128xf32, #tpu.memory_space<hbm>>
    tpu.wait_indirect_dma semaphore(%arg11 : memref<!tpu.dma_semaphore, #tpu.memory_space<semaphore_mem>>) src(%dma_wait3A_252 : memref<1000000x128xf32, #tpu.memory_space<hbm>>) dst(%dma_wait3A_247 : memref<128x128xf32, #tpu.memory_space<vmem>>)
    %add3A_253 = arith.constant 384 : i32
    %add3A_254 = arith.addi %mul3A_2, %add3A_253 : i32
    %dma_start3A_255 = arith.constant 128 : i32
    %dma_start3A_256 = arith.constant 0 : i32
    %dma_start3A_257 = tpu.memref_slice %arg10[%dma_start3A_255, %dma_start3A_256] : memref<256x128xf32, #tpu.memory_space<vmem>> -> memref<128x128xf32, #tpu.memory_space<vmem>>
    %dma_start3A_258 = arith.constant 0 : i32
    %dma_start3A_259 = tpu.memref_slice %arg6[%add3A_254, %dma_start3A_258] : memref<16384x128xf32, #tpu.memory_space<hbm>> -> memref<128x128xf32, #tpu.memory_space<hbm>>
    %dma_start3A_260 = arith.constant 0 : i32
    %dma_start3A_261 = tpu.memref_slice %arg6[%add3A_254, %dma_start3A_260] : memref<16384x128xf32, #tpu.memory_space<hbm>> -> memref<128x128xf32, #tpu.memory_space<hbm>>
    %dma_start3A_262 = arith.constant 128 : i32
    %dma_start3A_263 = arith.constant 0 : i32
    %dma_start3A_264 = tpu.memref_slice %arg10[%dma_start3A_262, %dma_start3A_263] : memref<256x128xf32, #tpu.memory_space<vmem>> -> memref<128x128xf32, #tpu.memory_space<vmem>>
    tpu.enqueue_dma source(%dma_start3A_264 : memref<128x128xf32, #tpu.memory_space<vmem>>) target(%dma_start3A_261 : memref<128x128xf32, #tpu.memory_space<hbm>>) target_semaphore(%arg12 : memref<!tpu.dma_semaphore, #tpu.memory_space<semaphore_mem>>)
    %dma_wait3A_265 = arith.constant 0 : i32
    %dma_wait3A_266 = arith.constant 0 : i32
    %dma_wait3A_267 = tpu.memref_slice %arg9[%dma_wait3A_265, %dma_wait3A_266] : memref<256x128xf32, #tpu.memory_space<vmem>> -> memref<128x128xf32, #tpu.memory_space<vmem>>
    %dma_wait3A_268 = arith.constant 0 : i32
    %dma_wait3A_269 = tpu.memref_slice %arg5[%add3A_194, %dma_wait3A_268] : memref<16384x128xf32, #tpu.memory_space<hbm>> -> memref<128x128xf32, #tpu.memory_space<hbm>>
    %dma_wait3A_270 = arith.constant 0 : i32
    %dma_wait3A_271 = tpu.memref_slice %arg5[%add3A_194, %dma_wait3A_270] : memref<16384x128xf32, #tpu.memory_space<hbm>> -> memref<128x128xf32, #tpu.memory_space<hbm>>
    %dma_wait3A_272 = arith.constant 0 : i32
    %dma_wait3A_273 = arith.constant 0 : i32
    %dma_wait3A_274 = tpu.memref_slice %arg9[%dma_wait3A_272, %dma_wait3A_273] : memref<256x128xf32, #tpu.memory_space<vmem>> -> memref<128x128xf32, #tpu.memory_space<vmem>>
    tpu.wait_dma2 semaphore(%arg12 : memref<!tpu.dma_semaphore, #tpu.memory_space<semaphore_mem>>) src(%dma_wait3A_274 : memref<128x128xf32, #tpu.memory_space<vmem>>) dst(%dma_wait3A_271 : memref<128x128xf32, #tpu.memory_space<hbm>>)
    %dma_wait3A_275 = arith.constant 0 : i32
    %dma_wait3A_276 = arith.constant 0 : i32
    %dma_wait3A_277 = tpu.memref_slice %arg10[%dma_wait3A_275, %dma_wait3A_276] : memref<256x128xf32, #tpu.memory_space<vmem>> -> memref<128x128xf32, #tpu.memory_space<vmem>>
    %dma_wait3A_278 = arith.constant 0 : i32
    %dma_wait3A_279 = tpu.memref_slice %arg6[%add3A_214, %dma_wait3A_278] : memref<16384x128xf32, #tpu.memory_space<hbm>> -> memref<128x128xf32, #tpu.memory_space<hbm>>
    %dma_wait3A_280 = arith.constant 0 : i32
    %dma_wait3A_281 = tpu.memref_slice %arg6[%add3A_214, %dma_wait3A_280] : memref<16384x128xf32, #tpu.memory_space<hbm>> -> memref<128x128xf32, #tpu.memory_space<hbm>>
    %dma_wait3A_282 = arith.constant 0 : i32
    %dma_wait3A_283 = arith.constant 0 : i32
    %dma_wait3A_284 = tpu.memref_slice %arg10[%dma_wait3A_282, %dma_wait3A_283] : memref<256x128xf32, #tpu.memory_space<vmem>> -> memref<128x128xf32, #tpu.memory_space<vmem>>
    tpu.wait_dma2 semaphore(%arg12 : memref<!tpu.dma_semaphore, #tpu.memory_space<semaphore_mem>>) src(%dma_wait3A_284 : memref<128x128xf32, #tpu.memory_space<vmem>>) dst(%dma_wait3A_281 : memref<128x128xf32, #tpu.memory_space<hbm>>)
    %dma_wait3A_285 = arith.constant 128 : i32
    %dma_wait3A_286 = arith.constant 0 : i32
    %dma_wait3A_287 = tpu.memref_slice %arg9[%dma_wait3A_285, %dma_wait3A_286] : memref<256x128xf32, #tpu.memory_space<vmem>> -> memref<128x128xf32, #tpu.memory_space<vmem>>
    %dma_wait3A_288 = arith.constant 0 : i32
    %dma_wait3A_289 = tpu.memref_slice %arg5[%add3A_234, %dma_wait3A_288] : memref<16384x128xf32, #tpu.memory_space<hbm>> -> memref<128x128xf32, #tpu.memory_space<hbm>>
    %dma_wait3A_290 = arith.constant 0 : i32
    %dma_wait3A_291 = tpu.memref_slice %arg5[%add3A_234, %dma_wait3A_290] : memref<16384x128xf32, #tpu.memory_space<hbm>> -> memref<128x128xf32, #tpu.memory_space<hbm>>
    %dma_wait3A_292 = arith.constant 128 : i32
    %dma_wait3A_293 = arith.constant 0 : i32
    %dma_wait3A_294 = tpu.memref_slice %arg9[%dma_wait3A_292, %dma_wait3A_293] : memref<256x128xf32, #tpu.memory_space<vmem>> -> memref<128x128xf32, #tpu.memory_space<vmem>>
    tpu.wait_dma2 semaphore(%arg12 : memref<!tpu.dma_semaphore, #tpu.memory_space<semaphore_mem>>) src(%dma_wait3A_294 : memref<128x128xf32, #tpu.memory_space<vmem>>) dst(%dma_wait3A_291 : memref<128x128xf32, #tpu.memory_space<hbm>>)
    %dma_wait3A_295 = arith.constant 128 : i32
    %dma_wait3A_296 = arith.constant 0 : i32
    %dma_wait3A_297 = tpu.memref_slice %arg10[%dma_wait3A_295, %dma_wait3A_296] : memref<256x128xf32, #tpu.memory_space<vmem>> -> memref<128x128xf32, #tpu.memory_space<vmem>>
    %dma_wait3A_298 = arith.constant 0 : i32
    %dma_wait3A_299 = tpu.memref_slice %arg6[%add3A_254, %dma_wait3A_298] : memref<16384x128xf32, #tpu.memory_space<hbm>> -> memref<128x128xf32, #tpu.memory_space<hbm>>
    %dma_wait3A_300 = arith.constant 0 : i32
    %dma_wait3A_301 = tpu.memref_slice %arg6[%add3A_254, %dma_wait3A_300] : memref<16384x128xf32, #tpu.memory_space<hbm>> -> memref<128x128xf32, #tpu.memory_space<hbm>>
    %dma_wait3A_302 = arith.constant 128 : i32
    %dma_wait3A_303 = arith.constant 0 : i32
    %dma_wait3A_304 = tpu.memref_slice %arg10[%dma_wait3A_302, %dma_wait3A_303] : memref<256x128xf32, #tpu.memory_space<vmem>> -> memref<128x128xf32, #tpu.memory_space<vmem>>
    tpu.wait_dma2 semaphore(%arg12 : memref<!tpu.dma_semaphore, #tpu.memory_space<semaphore_mem>>) src(%dma_wait3A_304 : memref<128x128xf32, #tpu.memory_space<vmem>>) dst(%dma_wait3A_301 : memref<128x128xf32, #tpu.memory_space<hbm>>)
    return
  }
}

module attributes {stable_mosaic.version = 14 : i64} {
  func.func @body(%arg0: i32, %arg1: memref<64x32768xf32, #tpu.memory_space<vmem>>, %arg2: memref<64x128xf32, #tpu.memory_space<vmem>>, %arg3: memref<32768x128xf32, #tpu.memory_space<vmem>>) attributes {dimension_semantics = [#tpu.dimension_semantics<arbitrary>], iteration_bounds = array<i64: 31>, scalar_prefetch = 0 : i64, scratch_operands = 0 : i64, tpu.core_type = #tpu.core_type<tc>, window_params = [{transform_indices = @transform_0, window_bounds = array<i64: 64, 32768>}, {pipeline_mode = #tpu.pipeline_mode<synchronous>, transform_indices = @transform_1, window_bounds = array<i64: 64, 128>}, {transform_indices = @transform_2, window_bounds = array<i64: 32768, 128>}]} {
    %get3A = arith.constant 0 : index
    %get3A_0 = arith.constant 0 : index
    %get3A_1 = vector.load %arg1[%get3A, %get3A_0] : memref<64x32768xf32, #tpu.memory_space<vmem>>, vector<64x32768xf32>
    %get3A_2 = arith.constant 0 : index
    %get3A_3 = arith.constant 0 : index
    %get3A_4 = vector.load %arg2[%get3A_2, %get3A_3] : memref<64x128xf32, #tpu.memory_space<vmem>>, vector<64x128xf32>
    %dot_general3A = arith.constant dense<0.000000e+00> : vector<32768x128xf32>
    %dot_general3A_5 = tpu.matmul %get3A_1, %get3A_4, %dot_general3A {dimension_numbers = #tpu.dot_dimension_numbers<[0], [0], [1], [1], [0, 1, 1, 1], [], []>, transpose_lhs_hint = false} : vector<64x32768xf32>, vector<64x128xf32>, vector<32768x128xf32> -> vector<32768x128xf32>
    %swap3A = arith.constant 0 : index
    %swap3A_6 = arith.constant 0 : index
    %swap3A_7 = vector.load %arg3[%swap3A, %swap3A_6] : memref<32768x128xf32, #tpu.memory_space<vmem>>, vector<32768x128xf32>
    tpu.vector_store %arg3[%swap3A, %swap3A_6], %dot_general3A_5 {strides = array<i32>} : memref<32768x128xf32, #tpu.memory_space<vmem>>, vector<32768x128xf32>,
    return
  }
  func.func @transform_0(%arg0: i32) -> (i32, i32) {
    %c0_i32 = arith.constant 0 : i32
    %c0_i32_0 = arith.constant 0 : i32
    return %c0_i32, %arg0 : i32, i32
  }
  func.func @transform_1(%arg0: i32) -> (i32, i32) {
    %c0_i32 = arith.constant 0 : i32
    %c0_i32_0 = arith.constant 0 : i32
    %c0_i32_1 = arith.constant 0 : i32
    return %c0_i32, %c0_i32_0 : i32, i32
  }
  func.func @transform_2(%arg0: i32) -> (i32, i32) {
    %c0_i32 = arith.constant 0 : i32
    %c0_i32_0 = arith.constant 0 : i32
    return %arg0, %c0_i32 : i32, i32
  }
}

module attributes {stable_mosaic.version = 14 : i64} {
  func.func @body(%arg0: i32, %arg1: memref<4096x128xf32, #tpu.memory_space<vmem>>, %arg2: memref<4096x128xf32, #tpu.memory_space<vmem>>, %arg3: memref<8x512x512xf32, #tpu.memory_space<vmem>>) attributes {dimension_semantics = [#tpu.dimension_semantics<arbitrary>], iteration_bounds = array<i64: 4>, scalar_prefetch = 0 : i64, scratch_operands = 0 : i64, tpu.core_type = #tpu.core_type<tc>, window_params = [{transform_indices = @transform_0, window_bounds = array<i64: 4096, 128>}, {transform_indices = @transform_1, window_bounds = array<i64: 4096, 128>}, {transform_indices = @transform_2, window_bounds = array<i64: 8, 512, 512>}]} {
    %get3A = arith.constant 0 : index
    %get3A_0 = arith.constant 64 : index
    %get3A_1 = vector.load %arg1[%get3A, %get3A_0] : memref<4096x128xf32, #tpu.memory_space<vmem>>, vector<512x64xf32>
    %get3A_2 = arith.constant 0 : index
    %get3A_3 = arith.constant 0 : index
    %get3A_4 = vector.load %arg2[%get3A_2, %get3A_3] : memref<4096x128xf32, #tpu.memory_space<vmem>>, vector<512x64xf32>
    %dot_general3A = arith.constant dense<0.000000e+00> : vector<512x512xf32>
    %dot_general3A_5 = tpu.matmul %get3A_1, %get3A_4, %dot_general3A {dimension_numbers = #tpu.dot_dimension_numbers<[1], [1], [0], [0], [0, 0, 1, 0], [], []>, transpose_lhs_hint = false} : vector<512x64xf32>, vector<512x64xf32>, vector<512x512xf32> -> vector<512x512xf32>
    %swap3A = arith.constant 0 : index
    %swap3A_6 = arith.constant 0 : index
    %swap3A_7 = arith.constant 0 : index
    %swap3A_8 = vector.load %arg3[%swap3A, %swap3A_6, %swap3A_7] : memref<8x512x512xf32, #tpu.memory_space<vmem>>, vector<1x512x512xf32>
    %swap3A_9 = vector.shape_cast %swap3A_8 : vector<1x512x512xf32> to vector<512x512xf32>
    %swap3A_10 = vector.shape_cast %dot_general3A_5 : vector<512x512xf32> to vector<1x512x512xf32>
    tpu.vector_store %arg3[%swap3A, %swap3A_6, %swap3A_7], %swap3A_10 {strides = array<i32>} : memref<8x512x512xf32, #tpu.memory_space<vmem>>, vector<1x512x512xf32>,
    %get3A_11 = arith.constant 512 : index
    %get3A_12 = arith.constant 64 : index
    %get3A_13 = vector.load %arg1[%get3A_11, %get3A_12] : memref<4096x128xf32, #tpu.memory_space<vmem>>, vector<512x64xf32>
    %get3A_14 = arith.constant 512 : index
    %get3A_15 = arith.constant 0 : index
    %get3A_16 = vector.load %arg2[%get3A_14, %get3A_15] : memref<4096x128xf32, #tpu.memory_space<vmem>>, vector<512x64xf32>
    %dot_general3A_17 = arith.constant dense<0.000000e+00> : vector<512x512xf32>
    %dot_general3A_18 = tpu.matmul %get3A_13, %get3A_16, %dot_general3A_17 {dimension_numbers = #tpu.dot_dimension_numbers<[1], [1], [0], [0], [0, 0, 1, 0], [], []>, transpose_lhs_hint = false} : vector<512x64xf32>, vector<512x64xf32>, vector<512x512xf32> -> vector<512x512xf32>
    %swap3A_19 = arith.constant 1 : index
    %swap3A_20 = arith.constant 0 : index
    %swap3A_21 = arith.constant 0 : index
    %swap3A_22 = vector.load %arg3[%swap3A_19, %swap3A_20, %swap3A_21] : memref<8x512x512xf32, #tpu.memory_space<vmem>>, vector<1x512x512xf32>
    %swap3A_23 = vector.shape_cast %swap3A_22 : vector<1x512x512xf32> to vector<512x512xf32>
    %swap3A_24 = vector.shape_cast %dot_general3A_18 : vector<512x512xf32> to vector<1x512x512xf32>
    tpu.vector_store %arg3[%swap3A_19, %swap3A_20, %swap3A_21], %swap3A_24 {strides = array<i32>} : memref<8x512x512xf32, #tpu.memory_space<vmem>>, vector<1x512x512xf32>,
    %get3A_25 = arith.constant 1024 : index
    %get3A_26 = arith.constant 64 : index
    %get3A_27 = vector.load %arg1[%get3A_25, %get3A_26] : memref<4096x128xf32, #tpu.memory_space<vmem>>, vector<512x64xf32>
    %get3A_28 = arith.constant 1024 : index
    %get3A_29 = arith.constant 0 : index
    %get3A_30 = vector.load %arg2[%get3A_28, %get3A_29] : memref<4096x128xf32, #tpu.memory_space<vmem>>, vector<512x64xf32>
    %dot_general3A_31 = arith.constant dense<0.000000e+00> : vector<512x512xf32>
    %dot_general3A_32 = tpu.matmul %get3A_27, %get3A_30, %dot_general3A_31 {dimension_numbers = #tpu.dot_dimension_numbers<[1], [1], [0], [0], [0, 0, 1, 0], [], []>, transpose_lhs_hint = false} : vector<512x64xf32>, vector<512x64xf32>, vector<512x512xf32> -> vector<512x512xf32>
    %swap3A_33 = arith.constant 2 : index
    %swap3A_34 = arith.constant 0 : index
    %swap3A_35 = arith.constant 0 : index
    %swap3A_36 = vector.load %arg3[%swap3A_33, %swap3A_34, %swap3A_35] : memref<8x512x512xf32, #tpu.memory_space<vmem>>, vector<1x512x512xf32>
    %swap3A_37 = vector.shape_cast %swap3A_36 : vector<1x512x512xf32> to vector<512x512xf32>
    %swap3A_38 = vector.shape_cast %dot_general3A_32 : vector<512x512xf32> to vector<1x512x512xf32>
    tpu.vector_store %arg3[%swap3A_33, %swap3A_34, %swap3A_35], %swap3A_38 {strides = array<i32>} : memref<8x512x512xf32, #tpu.memory_space<vmem>>, vector<1x512x512xf32>,
    %get3A_39 = arith.constant 1536 : index
    %get3A_40 = arith.constant 64 : index
    %get3A_41 = vector.load %arg1[%get3A_39, %get3A_40] : memref<4096x128xf32, #tpu.memory_space<vmem>>, vector<512x64xf32>
    %get3A_42 = arith.constant 1536 : index
    %get3A_43 = arith.constant 0 : index
    %get3A_44 = vector.load %arg2[%get3A_42, %get3A_43] : memref<4096x128xf32, #tpu.memory_space<vmem>>, vector<512x64xf32>
    %dot_general3A_45 = arith.constant dense<0.000000e+00> : vector<512x512xf32>
    %dot_general3A_46 = tpu.matmul %get3A_41, %get3A_44, %dot_general3A_45 {dimension_numbers = #tpu.dot_dimension_numbers<[1], [1], [0], [0], [0, 0, 1, 0], [], []>, transpose_lhs_hint = false} : vector<512x64xf32>, vector<512x64xf32>, vector<512x512xf32> -> vector<512x512xf32>
    %swap3A_47 = arith.constant 3 : index
    %swap3A_48 = arith.constant 0 : index
    %swap3A_49 = arith.constant 0 : index
    %swap3A_50 = vector.load %arg3[%swap3A_47, %swap3A_48, %swap3A_49] : memref<8x512x512xf32, #tpu.memory_space<vmem>>, vector<1x512x512xf32>
    %swap3A_51 = vector.shape_cast %swap3A_50 : vector<1x512x512xf32> to vector<512x512xf32>
    %swap3A_52 = vector.shape_cast %dot_general3A_46 : vector<512x512xf32> to vector<1x512x512xf32>
    tpu.vector_store %arg3[%swap3A_47, %swap3A_48, %swap3A_49], %swap3A_52 {strides = array<i32>} : memref<8x512x512xf32, #tpu.memory_space<vmem>>, vector<1x512x512xf32>,
    %get3A_53 = arith.constant 2048 : index
    %get3A_54 = arith.constant 64 : index
    %get3A_55 = vector.load %arg1[%get3A_53, %get3A_54] : memref<4096x128xf32, #tpu.memory_space<vmem>>, vector<512x64xf32>
    %get3A_56 = arith.constant 2048 : index
    %get3A_57 = arith.constant 0 : index
    %get3A_58 = vector.load %arg2[%get3A_56, %get3A_57] : memref<4096x128xf32, #tpu.memory_space<vmem>>, vector<512x64xf32>
    %dot_general3A_59 = arith.constant dense<0.000000e+00> : vector<512x512xf32>
    %dot_general3A_60 = tpu.matmul %get3A_55, %get3A_58, %dot_general3A_59 {dimension_numbers = #tpu.dot_dimension_numbers<[1], [1], [0], [0], [0, 0, 1, 0], [], []>, transpose_lhs_hint = false} : vector<512x64xf32>, vector<512x64xf32>, vector<512x512xf32> -> vector<512x512xf32>
    %swap3A_61 = arith.constant 4 : index
    %swap3A_62 = arith.constant 0 : index
    %swap3A_63 = arith.constant 0 : index
    %swap3A_64 = vector.load %arg3[%swap3A_61, %swap3A_62, %swap3A_63] : memref<8x512x512xf32, #tpu.memory_space<vmem>>, vector<1x512x512xf32>
    %swap3A_65 = vector.shape_cast %swap3A_64 : vector<1x512x512xf32> to vector<512x512xf32>
    %swap3A_66 = vector.shape_cast %dot_general3A_60 : vector<512x512xf32> to vector<1x512x512xf32>
    tpu.vector_store %arg3[%swap3A_61, %swap3A_62, %swap3A_63], %swap3A_66 {strides = array<i32>} : memref<8x512x512xf32, #tpu.memory_space<vmem>>, vector<1x512x512xf32>,
    %get3A_67 = arith.constant 2560 : index
    %get3A_68 = arith.constant 64 : index
    %get3A_69 = vector.load %arg1[%get3A_67, %get3A_68] : memref<4096x128xf32, #tpu.memory_space<vmem>>, vector<512x64xf32>
    %get3A_70 = arith.constant 2560 : index
    %get3A_71 = arith.constant 0 : index
    %get3A_72 = vector.load %arg2[%get3A_70, %get3A_71] : memref<4096x128xf32, #tpu.memory_space<vmem>>, vector<512x64xf32>
    %dot_general3A_73 = arith.constant dense<0.000000e+00> : vector<512x512xf32>
    %dot_general3A_74 = tpu.matmul %get3A_69, %get3A_72, %dot_general3A_73 {dimension_numbers = #tpu.dot_dimension_numbers<[1], [1], [0], [0], [0, 0, 1, 0], [], []>, transpose_lhs_hint = false} : vector<512x64xf32>, vector<512x64xf32>, vector<512x512xf32> -> vector<512x512xf32>
    %swap3A_75 = arith.constant 5 : index
    %swap3A_76 = arith.constant 0 : index
    %swap3A_77 = arith.constant 0 : index
    %swap3A_78 = vector.load %arg3[%swap3A_75, %swap3A_76, %swap3A_77] : memref<8x512x512xf32, #tpu.memory_space<vmem>>, vector<1x512x512xf32>
    %swap3A_79 = vector.shape_cast %swap3A_78 : vector<1x512x512xf32> to vector<512x512xf32>
    %swap3A_80 = vector.shape_cast %dot_general3A_74 : vector<512x512xf32> to vector<1x512x512xf32>
    tpu.vector_store %arg3[%swap3A_75, %swap3A_76, %swap3A_77], %swap3A_80 {strides = array<i32>} : memref<8x512x512xf32, #tpu.memory_space<vmem>>, vector<1x512x512xf32>,
    %get3A_81 = arith.constant 3072 : index
    %get3A_82 = arith.constant 64 : index
    %get3A_83 = vector.load %arg1[%get3A_81, %get3A_82] : memref<4096x128xf32, #tpu.memory_space<vmem>>, vector<512x64xf32>
    %get3A_84 = arith.constant 3072 : index
    %get3A_85 = arith.constant 0 : index
    %get3A_86 = vector.load %arg2[%get3A_84, %get3A_85] : memref<4096x128xf32, #tpu.memory_space<vmem>>, vector<512x64xf32>
    %dot_general3A_87 = arith.constant dense<0.000000e+00> : vector<512x512xf32>
    %dot_general3A_88 = tpu.matmul %get3A_83, %get3A_86, %dot_general3A_87 {dimension_numbers = #tpu.dot_dimension_numbers<[1], [1], [0], [0], [0, 0, 1, 0], [], []>, transpose_lhs_hint = false} : vector<512x64xf32>, vector<512x64xf32>, vector<512x512xf32> -> vector<512x512xf32>
    %swap3A_89 = arith.constant 6 : index
    %swap3A_90 = arith.constant 0 : index
    %swap3A_91 = arith.constant 0 : index
    %swap3A_92 = vector.load %arg3[%swap3A_89, %swap3A_90, %swap3A_91] : memref<8x512x512xf32, #tpu.memory_space<vmem>>, vector<1x512x512xf32>
    %swap3A_93 = vector.shape_cast %swap3A_92 : vector<1x512x512xf32> to vector<512x512xf32>
    %swap3A_94 = vector.shape_cast %dot_general3A_88 : vector<512x512xf32> to vector<1x512x512xf32>
    tpu.vector_store %arg3[%swap3A_89, %swap3A_90, %swap3A_91], %swap3A_94 {strides = array<i32>} : memref<8x512x512xf32, #tpu.memory_space<vmem>>, vector<1x512x512xf32>,
    %get3A_95 = arith.constant 3584 : index
    %get3A_96 = arith.constant 64 : index
    %get3A_97 = vector.load %arg1[%get3A_95, %get3A_96] : memref<4096x128xf32, #tpu.memory_space<vmem>>, vector<512x64xf32>
    %get3A_98 = arith.constant 3584 : index
    %get3A_99 = arith.constant 0 : index
    %get3A_100 = vector.load %arg2[%get3A_98, %get3A_99] : memref<4096x128xf32, #tpu.memory_space<vmem>>, vector<512x64xf32>
    %dot_general3A_101 = arith.constant dense<0.000000e+00> : vector<512x512xf32>
    %dot_general3A_102 = tpu.matmul %get3A_97, %get3A_100, %dot_general3A_101 {dimension_numbers = #tpu.dot_dimension_numbers<[1], [1], [0], [0], [0, 0, 1, 0], [], []>, transpose_lhs_hint = false} : vector<512x64xf32>, vector<512x64xf32>, vector<512x512xf32> -> vector<512x512xf32>
    %swap3A_103 = arith.constant 7 : index
    %swap3A_104 = arith.constant 0 : index
    %swap3A_105 = arith.constant 0 : index
    %swap3A_106 = vector.load %arg3[%swap3A_103, %swap3A_104, %swap3A_105] : memref<8x512x512xf32, #tpu.memory_space<vmem>>, vector<1x512x512xf32>
    %swap3A_107 = vector.shape_cast %swap3A_106 : vector<1x512x512xf32> to vector<512x512xf32>
    %swap3A_108 = vector.shape_cast %dot_general3A_102 : vector<512x512xf32> to vector<1x512x512xf32>
    tpu.vector_store %arg3[%swap3A_103, %swap3A_104, %swap3A_105], %swap3A_108 {strides = array<i32>} : memref<8x512x512xf32, #tpu.memory_space<vmem>>, vector<1x512x512xf32>,
    return
  }
  func.func @transform_0(%arg0: i32) -> (i32, i32) {
    %c0_i32 = arith.constant 0 : i32
    %c0_i32_0 = arith.constant 0 : i32
    return %arg0, %c0_i32 : i32, i32
  }
  func.func @transform_1(%arg0: i32) -> (i32, i32) {
    %c0_i32 = arith.constant 0 : i32
    %c0_i32_0 = arith.constant 0 : i32
    return %arg0, %c0_i32 : i32, i32
  }
  func.func @transform_2(%arg0: i32) -> (i32, i32, i32) {
    %c0_i32 = arith.constant 0 : i32
    %c0_i32_0 = arith.constant 0 : i32
    %c0_i32_1 = arith.constant 0 : i32
    return %arg0, %c0_i32, %c0_i32_0 : i32, i32, i32
  }
}

</mosaic_0001>

<sc_bundles>
// kernel: kernel.5.cloned.1.call-start
scs
__scs_entry_jumppad:
0x0: {  	(pc) =	sbr.rel $0x88, $3  }
0x1: {  	(tag) =	ssettag $0x0;
	lr =	simm.s32 $0x1  }
0x2: {  	[smem:$0x3F9D] =	sst lr;
	_ =	strace $0xD0000000  }
0x3: {  	_ = 	snop  }
0x4: {  	_ = 	snop  }
0x5: {  	_ = 	snop  }
0x6: {  	_ = 	snop  }
0x7: {  	_ = 	snop  }
__scs_overlays_trampoline_lowered:
0x8: {  	[smem:$0x3FAC] =	sst s0  }
0x9: {  	[smem:$0x3FAD] =	sst s1  }
0xa: {  	[smem:$0x3FAE] =	sst s2  }
0xb: {  	[smem:$0x3FAF] =	sst s3  }
0xc: {  	[smem:$0x3FB0] =	sst s4  }
0xd: {  	[smem:$0x3FB1] =	sst s5  }
0xe: {  	[smem:$0x3FB2] =	sst s6  }
0xf: {  	[smem:$0x3FB3] =	sst s7  }
0x10: {  	[smem:$0x3FB4] =	sst s8  }
0x11: {  	[smem:$0x3FB5] =	sst s9;
	s0 =	simm.s32 @!p0 $0x0  }
0x12: {  	s1 =	sld [smem:$0x3F9B];
	s0 =	simm.s32 @p0 $0x1  }
0x13: {  	[smem:$0x3FB6] =	sst s0;
	s0 =	simm.s32 @!p1 $0x0  }
0x14: {  	s2 =	sld [smem:$0x3F9A];
	s0 =	simm.s32 @p1 $0x1  }
0x15: {  	[smem:$0x3FB7] =	sst s0;
	s0 =	simm.s32 @!p2 $0x0  }
0x16: {  	s3 =	sld [smem:$0x3FDB];
	s0 =	simm.s32 @p2 $0x1  }
0x17: {  	s4 =	simm.s32 $0x1BF5;
	[smem:$0x3FB9] =	sst s0  }
0x18: {  	s0 =	sld [smem:$0x3F9C];
	_ =	swait.ge [sflag:s4], $0x0  }
0x19: {  	s7 =	sld [smem:$0x3F9D]  }
0x1a: {  	s8 =	sadd.s32 $0xFFFFE003, lr  }
0x1b: {  	s9 =	sadd.s32 $0xFFFFFEF7, lr;
	s5 =	simm.s32 $0xFFFFFFFF;
	p2 =	slt.u32 s8, $0xFFFFF086  }
0x1c: {  	p1 =	slt.u32 s9, $0xF7A;
	s5 =	simm.s32 @!p2 $0x0  }
0x1d: {  	s5 =	simm.s32 @p1 $0x1;
	p0 =	seq.s32 s7, s2  }
0x1e: {  	s7 =	smul.u32 @!p0 $0xF7A, s2;
	p2 =	seq.s32 @!p0 s5, $0x0  }
0x1f: {  	s9 =	smul.u32 $0xF7A, s1;
	s8 =	simm.s32 @!p0 $0x1BF5;
	p2 =	por !p2, p0  }
0x20: {  	[sflag:s8] =	ssyncset.s32 @!p0 $0xFFFFF086;
	s6 =	sadd.s32 @!p0 s3, s7;
	s7 =	simm.s32 @!p0 $0x108  }
0x21: {  	s3 =	sadd.s32 s3, s9;
	s6 =	sadd.s32 @!p0 $0x88, s6;
	s7 =	simm.s32 @p2 $0x1082  }
0x22: {  	[simem:s7], [sflag:s8] =	dma.local @!p0 [hbm:s6], $0xF7A  }
0x23: {  	s9 =	sor.u32 $0xD0000000, s2;
	s6 =	simm.s32 $0x108;
	_ =	swait.ge @!p0 [sflag:s8], $0x0  }
0x24: {  	s3 =	sadd.s32 $0x88, s3;
	s6 =	simm.s32 @!p1 $0x1082;
	[sflag:s4] =	ssyncset.s32 $0xFFFFF086  }
0x25: {  	[simem:s6], [sflag:s4] =	dma.local [hbm:s3], $0xF7A  }
0x26: {  	[smem:$0x3F9D] =	sst s1;
	(tag) =	ssettag s2;
	_ =	strace s9  }
0x27: {  	s1 =	sld [smem:$0x3FAD]  }
0x28: {  	s2 =	sld [smem:$0x3FAE]  }
0x29: {  	s4 =	sld [smem:$0x3FB0]  }
0x2a: {  	p0 =	seq.s32 s5, $0x0;
	s5 =	sld [smem:$0x3FB1]  }
0x2b: {  	s6 =	sld [smem:$0x3FB2]  }
0x2c: {  	s7 =	sld [smem:$0x3FB3]  }
0x2d: {  	s3 =	simm.s32 $0x108;
	s8 =	sld [smem:$0x3FB4]  }
0x2e: {  	s3 =	simm.s32 @!p0 $0x1082;
	s9 =	sld [smem:$0x3FB5]  }
0x2f: {  	lr =	sadd.s32 s0, s3;
	s0 =	sld [smem:$0x3FAC]  }
0x30: {  	s3 =	sld [smem:$0x3FAF]  }
0x31: {  	[smem:$0x3FB8] =	sst s10  }
0x32: {  	s10 =	sld [smem:$0x3FB6];
	_ =	sdelay $0x3  }
0x33: {  	p0 =	seq.s32 s10, $0x1;
	s10 =	sld [smem:$0x3FB8];
	_ =	sdelay $0x3  }
0x34: {  	[smem:$0x3FB8] =	sst s10  }
0x35: {  	s10 =	sld [smem:$0x3FB7];
	_ =	sdelay $0x3  }
0x36: {  	p1 =	seq.s32 s10, $0x1;
	s10 =	sld [smem:$0x3FB8];
	_ =	sdelay $0x3  }
0x37: {  	[smem:$0x3FB8] =	sst s10  }
0x38: {  	s10 =	sld [smem:$0x3FB9]  }
0x39: {  	_ = 	snop;
	(pc) =	sbr.ind lr, $3  }
0x3a: {  	_ = 	snop  }
0x3b: {  	_ = 	snop  }
0x3c: {  	p2 =	seq.s32 s10, $0x1;
	s10 =	sld [smem:$0x3FB8]  }
0x3d: {  	_ =	shalt  }
0x3e: {  	_ =	shalt  }
0x3f: {  	_ =	shalt  }
0x40: {  	_ =	shalt  }
0x41: {  	_ =	shalt  }
0x42: {  	_ =	shalt  }
0x43: {  	_ =	shalt  }
0x44: {  	_ =	shalt  }
0x45: {  	_ =	shalt  }
0x46: {  	_ =	shalt  }
0x47: {  	_ =	shalt  }
0x48: {  	_ =	shalt  }
0x49: {  	_ =	shalt  }
0x4a: {  	_ =	shalt  }
0x4b: {  	_ =	shalt  }
0x4c: {  	_ =	shalt  }
0x4d: {  	_ =	shalt  }
0x4e: {  	_ =	shalt  }
0x4f: {  	_ =	shalt  }
0x50: {  	_ =	shalt  }
0x51: {  	_ =	shalt  }
0x52: {  	_ =	shalt  }
0x53: {  	_ =	shalt  }
0x54: {  	_ =	shalt  }
0x55: {  	_ =	shalt  }
0x56: {  	_ =	shalt  }
0x57: {  	_ =	shalt  }
0x58: {  	_ =	shalt  }
0x59: {  	_ =	shalt  }
0x5a: {  	_ =	shalt  }
0x5b: {  	_ =	shalt  }
0x5c: {  	_ =	shalt  }
0x5d: {  	_ =	shalt  }
0x5e: {  	_ =	shalt  }
0x5f: {  	_ =	shalt  }
0x60: {  	_ =	shalt  }
0x61: {  	_ =	shalt  }
0x62: {  	_ =	shalt  }
0x63: {  	_ =	shalt  }
0x64: {  	_ =	shalt  }
0x65: {  	_ =	shalt  }
0x66: {  	_ =	shalt  }
0x67: {  	_ =	shalt  }
0x68: {  	_ =	shalt  }
0x69: {  	_ =	shalt  }
0x6a: {  	_ =	shalt  }
0x6b: {  	_ =	shalt  }
0x6c: {  	_ =	shalt  }
0x6d: {  	_ =	shalt  }
0x6e: {  	_ =	shalt  }
0x6f: {  	_ =	shalt  }
0x70: {  	_ =	shalt  }
0x71: {  	_ =	shalt  }
0x72: {  	_ =	shalt  }
0x73: {  	_ =	shalt  }
0x74: {  	_ =	shalt  }
0x75: {  	_ =	shalt  }
0x76: {  	_ =	shalt  }
0x77: {  	_ =	shalt  }
0x78: {  	_ =	shalt  }
0x79: {  	_ =	shalt  }
0x7a: {  	_ =	shalt  }
0x7b: {  	_ =	shalt  }
0x7c: {  	_ =	shalt  }
0x7d: {  	_ =	shalt  }
0x7e: {  	_ =	shalt  }
0x7f: {  	_ =	shalt  }
0x80: {  	_ =	shalt  }
0x81: {  	_ =	shalt  }
0x82: {  	_ =	shalt  }
0x83: {  	_ =	shalt  }
0x84: {  	_ =	shalt  }
0x85: {  	_ =	shalt  }
0x86: {  	_ =	shalt  }
0x87: {  	_ =	shalt  }
.Lfunc_end0:
.L_simem_size_0:
called_computation_lowered:
.L_overlay_start_0:
0x88: {  	s2 =	sld [smem:$0x3FD9]  }
0x89: {  	s3 =	sld [smem:$0x3FFE];
	_ =	sdelay $0x1  }
0x8a: {  	s1 =	srdreg.scid  }
0x8b: {  	s0 =	sand.u32 $0x1, s1  }
0x8c: {  	s17 =	sshll.u32 s0, $0xA;
	s2 =	sadd.s32 s3, s2  }
0x8d: {  	s2 =	sadd.s32 s2, s17  }
0x8e: {  	[smem:$0x3FC4] =	sst s2  }
0x8f: {  	_ = 	snop  }
0x90: {  	s2 =	sld [smem:$0x3FD0];
	(tm) =	ssettm $0x1  }
0x91: {  	s18 =	sld [smem:$0x3FFB];
	_ =	sdelay $0x3  }
0x92: {  	_ =	strace s18  }
0x93: {  	s3 =	sld [smem:$0x3FFC];
	_ =	sdelay $0x3  }
0x94: {  	_ =	strace s3  }
0x95: {  	s3 =	sld [smem:$0x3FFD];
	_ =	sdelay $0x3  }
0x96: {  	_ =	strace s3  }
0x97: {  	_ =	strace $0x8FFFFFFF  }
0x98: {  	s19 =	sld [smem:$0x3FDB];
	_ =	sdelay $0x1  }
0x99: {  	s4 =	simm.s32 $_scs_section_size  }
0x9a: {  	s5 =	simm.s32 $_size__tile_overlayer_lowered;
	s6 =	simm.s32 $_tile_overlayer_lowered  }
0x9b: {  	s22 =	simm.s32 $0x1BFF;
	s21 =	sshll.u32 s6, $0x1;
	s3 =	sadd.s32 s4, s19  }
0x9c: {  	s7 =	simm.s32 $0x0;
	s20 =	sshll.u32 s5, $0x1;
	s5 =	sadd.s32 s21, s3  }
0x9d: {  	[timem:s7], [sflag:s22] =	dma.local [hbm:s5], s20  }
0x9e: {  	_ =	swait.ge [sflag:s22], s20  }
0x9f: {  	s4 =	ssub.s32 $0x0, s20;
	[sflag:s22] =	ssyncset.done $0x0  }
0xa0: {  	[sflag:s22] =	ssyncadd.s32 s4;
	_ =	sdelay $0x1  }
0xa1: {  	s23 =	simm.s32 $0x1B8B  }
0xa2: {  	_ =	swait.ge [sflag:s23], $0x1  }
0xa3: {  	[sflag:s23] =	ssyncset.done $0x0  }
0xa4: {  	s25 =	simm.s32 $0x1B8E;
	s24 =	sld [smem:$0x3FFE];
	[sflag:s23] =	ssyncadd.s32 $0xFFFFFFFF  }
0xa5: {  	s26 =	simm.s32 $execute0_lowered;
	[smem:$0x3FD2] =	sst s25  }
0xa6: {  	s5 =	sshll.u32 s26, $0x1;
	_ =	strace $0x80000046;
	[dreg:$0x1] =	wrdreg $0xFFFFFFFF  }
0xa7: {  	s28 =	simm.s32 $_size_execute0_lowered;
	s3 =	sadd.s32 s3, s5;
	[dreg:$0x0] =	wrdreg $0x0  }
0xa8: {  	s5 =	sshll.u32 s28, $0x1;
	[dreg:$0x2] =	wrdreg s3  }
0xa9: {  	[dreg:$0x3] =	wrdreg s5  }
0xaa: {  	[dreg:$0x4] =	wrdreg $0xC0  }
0xab: {  	_ =	task [dreg:s7], $0x5FFFF  }
0xac: {  	[dreg:$0x1] =	wrdreg $0xFFFFFFFF  }
0xad: {  	[dreg:$0x0] =	wrdreg $0x60  }
0xae: {  	[dreg:$0x2] =	wrdreg s24  }
0xaf: {  	[dreg:$0x3] =	wrdreg s2  }
0xb0: {  	[dreg:$0x4] =	wrdreg $0x9  }
0xb1: {  	_ =	task.clear_ibuf [dreg:s7], $0x5FFFF;
	_ =	strace $0x90000046  }
0xb2: {  	s29 =	simm.s32 $0x9;
	_ =	strace $0x80000048  }
0xb3: {  	_ =	swait.ge [sflag:s29], $0x1  }
0xb4: {  	[sflag:s29] =	ssyncadd.s32 $0xFFFFFFFF  }
0xb5: {  	_ =	strace $0x90000048  }
0xb6: {  	_ =	sfence  }
0xb7: {  	s30 =	sld [smem:$0x0];
	_ =	sdelay $0x2  }
0xb8: {  	s31 =	sshll.u32 s1, $0xD;
	s1 =	sshrl.u32 s1, $0x2  }
0xb9: {  	s3 =	sand.u32 $0x4000, s31;
	s1 =	sadd.s32 s1, s30  }
0xba: {  	s0 =	sor.u32 s3, s0;
	s1 =	sshll.u32 s1, $0x11  }
0xbb: {  	s0 =	sor.u32 s1, s0  }
0xbc: {  	s0 =	sadd.s32 $0x8F2B, s0  }
0xbd: {  	[sflag:s0] =	ssyncadd.remote.s32 $0x1  }
0xbe: {  	_ =	sfence.sel $0xFFFF  }
0xbf: {  	[dreg:$0x0] =	wrdreg $0xFFFFFFFF;
	(pc) =	sbr.abs _section_cstart, $3  }
0xc0: {  	[dreg:$0x1] =	wrdreg $0xFFFFFFFF  }
0xc1: {  	_ =	task.clear_ibuf [dreg:s7], $0x2FFFF;
	_ =	strace $0x9FFFFFFF  }
0xc2: {  	(tm) =	ssettm $0x7FFFFFFF  }
0xc3: {  	_ =	shalt  }
tec
execute0_lowered:
.L_overlay_start_1:
0x0: {  	(tag) =	ssettag $0x1  }
0x1: {  	s1 =	srdreg.scid;
	s0 =	stileid.u32  }
0x2: {  	s29 =	sand.u32 $0x1, s1;
	s26 =	sshll.u32 s0, $0x1  }
0x3: {  	s15 =	sor.u32 s29, s26  }
0x4: {  	s18 =	rddreg [dreg:$0x0];
	s30 =	sshll.u32 s0, $0x7;
	s2 =	sshll.u32 s15, $0x4  }
0x5: {  	s4 =	simm.s32 $0x80;
	s5 =	simm.s32 $0x400;
	s3 =	sor.u32 s30, s2  }
0x6: {  	s1 =	rddreg [dreg:$0x2];
	s2 =	simm.s32 $0x0;
	s3 =	sand.u32 $0x670, s3  }
0x7: {  	s6 =	simm.s32 $0x3;
	[smem:$0x7FF] =	sst s2;
	s7 =	sadd.s32 s3, s18  }
0x8: {  	s26 =	rddreg [dreg:$0x1];
	_ =	strace $0x80000047;
	s3 =	sadd.s32 $0xC00, s7  }
0x9: {  	[tilespmem:s2], [sflag:$0x3] =	stream.strided.gather [hbm4b:s3+s4], $0x200, s5, s4, $0x38;
	[tilespmem:$0x10400] =	vst v63  }
0xa: {  	_ =	swait.ge [sflag:s6], $0x200  }
0xb: {  	[sflag:s6] =	ssyncset.done $0x0  }
0xc: {  	s8 =	simm.s32 $0x200;
	s7 =	sadd.s32 $0x1400, s7;
	[sflag:s6] =	ssyncadd.s32 $0xFFFFFE00  }
0xd: {  	[tilespmem:s8], [sflag:$0x3] =	stream.strided.gather [hbm4b:s7+s4], $0x200, s5, s4, $0x38;
	[tilespmem:$0x10400] =	vst v63  }
0xe: {  	_ =	swait.ge [sflag:s6], $0x200  }
0xf: {  	[sflag:s6] =	ssyncset.done $0x0  }
0x10: {  	s9 =	sadd.s32 $0x1C00, s18;
	[sflag:s6] =	ssyncadd.s32 $0xFFFFFE00  }
0x11: {  	[tilespmem:s5], [sflag:$0x1] =	stream.indirect.gather [hbm4b:s9+s4], $0x80, s2, s4, $0xb8;
	[tilespmem:$0x10400] =	vst v63  }
0x12: {  	s10 =	simm.s32 $0x8400  }
0x13: {  	[tilespmem:s10], [sflag:$0x1] =	stream.indirect.gather [hbm4b:s9+s4], $0x80, s8, s4, $0xb8;
	[tilespmem:$0x10400] =	vst v63  }
0x14: {  	s11 =	simm.s32 $0x4400  }
0x15: {  	[tilespmem:s11], [sflag:$0x1] =	stream.indirect.gather [hbm4b:s9+s4], $0x80, s4, s4, $0xb8;
	[tilespmem:$0x10400] =	vst v63  }
0x16: {  	s12 =	simm.s32 $0x280;
	s13 =	simm.s32 $0xC400;
	s14 =	simm.s32 $0x1  }
0x17: {  	[tilespmem:s13], [sflag:$0x1] =	stream.indirect.gather [hbm4b:s9+s4], $0x80, s12, s4, $0xb8;
	[tilespmem:$0x10400] =	vst v63  }
0x18: {  	_ =	swait.ge [sflag:s14], $0x4000  }
0x19: {  	s28 =	sshll.u32 s15, $0xD;
	[sflag:s14] =	ssyncset.done $0x0  }
0x1a: {  	s15 =	simm.s32 $0x2;
	s16 =	sadd.s32 s26, s28;
	[sflag:s14] =	ssyncadd.s32 $0xFFFFC000  }
0x1b: {  	[hbm4b:s16+s2] =	stream.linear.scatter [tilespmem:s5], [sflag:$0x2], $0x4000, $0x38;
	[tilespmem:$0x10400] =	vst v63  }
0x1c: {  	_ =	swait.ge [sflag:s15], $0x4000  }
0x1d: {  	[sflag:s15] =	ssyncset.done $0x0  }
0x1e: {  	s17 =	simm.s32 $0x100;
	[sflag:s15] =	ssyncadd.s32 $0xFFFFC000  }
0x1f: {  	[tilespmem:s5], [sflag:$0x1] =	stream.indirect.gather [hbm4b:s9+s4], $0x80, s17, s4, $0xb8;
	[tilespmem:$0x10400] =	vst v63  }
0x20: {  	_ =	swait.ge [sflag:s14], $0x4000  }
0x21: {  	s30 =	sadd.s32 $0xF44000, s18;
	[sflag:s14] =	ssyncset.done $0x0  }
0x22: {  	s18 =	sadd.s32 s30, s28;
	[sflag:s14] =	ssyncadd.s32 $0xFFFFC000  }
0x23: {  	[hbm4b:s18+s2] =	stream.linear.scatter [tilespmem:s10], [sflag:$0x2], $0x4000, $0x38;
	[tilespmem:$0x10400] =	vst v63  }
0x24: {  	_ =	swait.ge [sflag:s15], $0x4000  }
0x25: {  	[sflag:s15] =	ssyncset.done $0x0  }
0x26: {  	s19 =	simm.s32 $0x300;
	[sflag:s15] =	ssyncadd.s32 $0xFFFFC000  }
0x27: {  	[tilespmem:s10], [sflag:$0x1] =	stream.indirect.gather [hbm4b:s9+s4], $0x80, s19, s4, $0xb8;
	[tilespmem:$0x10400] =	vst v63  }
0x28: {  	_ =	swait.ge [sflag:s14], $0x4000  }
0x29: {  	s22 =	sor.u32 $0x800, s28;
	[sflag:s14] =	ssyncset.done $0x0  }
0x2a: {  	s20 =	sadd.s32 s26, s22;
	[sflag:s14] =	ssyncadd.s32 $0xFFFFC000  }
0x2b: {  	[hbm4b:s20+s2] =	stream.linear.scatter [tilespmem:s11], [sflag:$0x2], $0x4000, $0x38;
	[tilespmem:$0x10400] =	vst v63  }
0x2c: {  	_ =	swait.ge [sflag:s15], $0x4000  }
0x2d: {  	[sflag:s15] =	ssyncset.done $0x0  }
0x2e: {  	s21 =	simm.s32 $0x180;
	[sflag:s15] =	ssyncadd.s32 $0xFFFFC000  }
0x2f: {  	[tilespmem:s11], [sflag:$0x1] =	stream.indirect.gather [hbm4b:s9+s4], $0x80, s21, s4, $0xb8;
	[tilespmem:$0x10400] =	vst v63  }
0x30: {  	_ =	swait.ge [sflag:s14], $0x4000  }
0x31: {  	[sflag:s14] =	ssyncset.done $0x0  }
0x32: {  	s22 =	sadd.s32 s30, s22;
	[sflag:s14] =	ssyncadd.s32 $0xFFFFC000  }
0x33: {  	[hbm4b:s22+s2] =	stream.linear.scatter [tilespmem:s13], [sflag:$0x2], $0x4000, $0x38;
	[tilespmem:$0x10400] =	vst v63  }
0x34: {  	_ =	swait.ge [sflag:s15], $0x4000  }
0x35: {  	[sflag:s15] =	ssyncset.done $0x0  }
0x36: {  	s23 =	simm.s32 $0x380;
	[sflag:s15] =	ssyncadd.s32 $0xFFFFC000  }
0x37: {  	[tilespmem:s13], [sflag:$0x1] =	stream.indirect.gather [hbm4b:s9+s4], $0x80, s23, s4, $0xb8;
	[tilespmem:$0x10400] =	vst v63  }
0x38: {  	_ =	swait.ge [sflag:s14], $0x4000  }
0x39: {  	s25 =	sor.u32 $0x1000, s28;
	[sflag:s14] =	ssyncset.done $0x0  }
0x3a: {  	s24 =	sadd.s32 s26, s25;
	[sflag:s14] =	ssyncadd.s32 $0xFFFFC000  }
0x3b: {  	[hbm4b:s24+s2] =	stream.linear.scatter [tilespmem:s5], [sflag:$0x2], $0x4000, $0x38;
	[tilespmem:$0x10400] =	vst v63  }
0x3c: {  	_ =	swait.ge [sflag:s14], $0x4000  }
0x3d: {  	[sflag:s14] =	ssyncset.done $0x0  }
0x3e: {  	s25 =	sadd.s32 s30, s25;
	[sflag:s14] =	ssyncadd.s32 $0xFFFFC000  }
0x3f: {  	[hbm4b:s25+s2] =	stream.linear.scatter [tilespmem:s10], [sflag:$0x2], $0x4000, $0x38;
	[tilespmem:$0x10400] =	vst v63  }
0x40: {  	_ =	swait.ge [sflag:s14], $0x4000  }
0x41: {  	s28 =	sor.u32 $0x1800, s28;
	[sflag:s14] =	ssyncset.done $0x0  }
0x42: {  	s26 =	sadd.s32 s26, s28;
	[sflag:s14] =	ssyncadd.s32 $0xFFFFC000  }
0x43: {  	[hbm4b:s26+s2] =	stream.linear.scatter [tilespmem:s11], [sflag:$0x2], $0x4000, $0x38;
	[tilespmem:$0x10400] =	vst v63  }
0x44: {  	_ =	swait.ge [sflag:s14], $0x4000  }
0x45: {  	[sflag:s14] =	ssyncset.done $0x0  }
0x46: {  	s28 =	sadd.s32 s30, s28;
	[sflag:s14] =	ssyncadd.s32 $0xFFFFC000  }
0x47: {  	[hbm4b:s28+s2] =	stream.linear.scatter [tilespmem:s13], [sflag:$0x2], $0x4000, $0x38;
	[tilespmem:$0x10400] =	vst v63  }
0x48: {  	_ =	swait.ge [sflag:s15], $0x4000  }
0x49: {  	s29 =	ssub.s32 $0x2, s29;
	[sflag:s15] =	ssyncset.done $0x0  }
0x4a: {  	s31 =	sshrl.u32 s29, $0x1;
	[sflag:s15] =	ssyncadd.s32 $0xFFFFC000  }
0x4b: {  	s29 =	ssub.s32 s29, s31;
	_ =	swait.ge [sflag:s15], $0x4000  }
0x4c: {  	s29 =	smax.u32 s29, $0x1;
	[sflag:s15] =	ssyncset.done $0x0  }
0x4d: {  	p0 =	sne.s32 s29, $0x1;
	[sflag:s15] =	ssyncadd.s32 $0xFFFFC000  }
.Ltmp0:
0x4e: {  	_ =	swait.ge [sflag:s15], $0x4000;
	(pc) =	sbr.rel @!p0 .LBB2_2-.Ltmp0, $4  }
0x4f: {  	[sflag:s15] =	ssyncset.done $0x0  }
0x50: {  	[sflag:s15] =	ssyncadd.s32 $0xFFFFC000  }
0x51: {  	_ =	swait.ge [sflag:s15], $0x4000  }
0x52: {  	s29 =	sadd.s32 $0xFFFFFFFF, s29;
	[sflag:s15] =	ssyncset.done $0x0  }
.LBB2_1:
0x53: {  	p0 =	sne.s32 s29, $0x1;
	s29 =	sadd.s32 $0xFFFFFFFF, s29;
	[sflag:s15] =	ssyncadd.s32 $0xFFFFC000  }
0x54: {  	[tilespmem:s2], [sflag:$0x3] =	stream.strided.gather [hbm4b:s3+s4], $0x200, s5, s4, $0x38;
	[tilespmem:$0x10400] =	vst v63  }
0x55: {  	_ =	swait.ge [sflag:s6], $0x200  }
0x56: {  	[sflag:s6] =	ssyncset.done $0x0  }
0x57: {  	[sflag:s6] =	ssyncadd.s32 $0xFFFFFE00  }
0x58: {  	[tilespmem:s8], [sflag:$0x3] =	stream.strided.gather [hbm4b:s7+s4], $0x200, s5, s4, $0x38;
	[tilespmem:$0x10400] =	vst v63  }
0x59: {  	_ =	swait.ge [sflag:s6], $0x200  }
0x5a: {  	[sflag:s6] =	ssyncset.done $0x0  }
0x5b: {  	[sflag:s6] =	ssyncadd.s32 $0xFFFFFE00  }
0x5c: {  	[tilespmem:s5], [sflag:$0x1] =	stream.indirect.gather [hbm4b:s9+s4], $0x80, s2, s4, $0xb8;
	[tilespmem:$0x10400] =	vst v63  }
0x5d: {  	_ = 	snop  }
0x5e: {  	[tilespmem:s10], [sflag:$0x1] =	stream.indirect.gather [hbm4b:s9+s4], $0x80, s8, s4, $0xb8;
	[tilespmem:$0x10400] =	vst v63  }
0x5f: {  	_ = 	snop  }
0x60: {  	[tilespmem:s11], [sflag:$0x1] =	stream.indirect.gather [hbm4b:s9+s4], $0x80, s4, s4, $0xb8;
	[tilespmem:$0x10400] =	vst v63  }
0x61: {  	_ = 	snop  }
0x62: {  	[tilespmem:s13], [sflag:$0x1] =	stream.indirect.gather [hbm4b:s9+s4], $0x80, s12, s4, $0xb8;
	[tilespmem:$0x10400] =	vst v63  }
0x63: {  	_ =	swait.ge [sflag:s14], $0x4000  }
0x64: {  	[sflag:s14] =	ssyncset.done $0x0  }
0x65: {  	[sflag:s14] =	ssyncadd.s32 $0xFFFFC000  }
0x66: {  	[hbm4b:s16+s2] =	stream.linear.scatter [tilespmem:s5], [sflag:$0x2], $0x4000, $0x38;
	[tilespmem:$0x10400] =	vst v63  }
0x67: {  	_ =	swait.ge [sflag:s15], $0x4000  }
0x68: {  	[sflag:s15] =	ssyncset.done $0x0  }
0x69: {  	[sflag:s15] =	ssyncadd.s32 $0xFFFFC000  }
0x6a: {  	[tilespmem:s5], [sflag:$0x1] =	stream.indirect.gather [hbm4b:s9+s4], $0x80, s17, s4, $0xb8;
	[tilespmem:$0x10400] =	vst v63  }
0x6b: {  	_ =	swait.ge [sflag:s14], $0x4000  }
0x6c: {  	[sflag:s14] =	ssyncset.done $0x0  }
0x6d: {  	[sflag:s14] =	ssyncadd.s32 $0xFFFFC000  }
0x6e: {  	[hbm4b:s18+s2] =	stream.linear.scatter [tilespmem:s10], [sflag:$0x2], $0x4000, $0x38;
	[tilespmem:$0x10400] =	vst v63  }
0x6f: {  	_ =	swait.ge [sflag:s15], $0x4000  }
0x70: {  	[sflag:s15] =	ssyncset.done $0x0  }
0x71: {  	[sflag:s15] =	ssyncadd.s32 $0xFFFFC000  }
0x72: {  	[tilespmem:s10], [sflag:$0x1] =	stream.indirect.gather [hbm4b:s9+s4], $0x80, s19, s4, $0xb8;
	[tilespmem:$0x10400] =	vst v63  }
0x73: {  	_ =	swait.ge [sflag:s14], $0x4000  }
0x74: {  	[sflag:s14] =	ssyncset.done $0x0  }
0x75: {  	[sflag:s14] =	ssyncadd.s32 $0xFFFFC000  }
0x76: {  	[hbm4b:s20+s2] =	stream.linear.scatter [tilespmem:s11], [sflag:$0x2], $0x4000, $0x38;
	[tilespmem:$0x10400] =	vst v63  }
0x77: {  	_ =	swait.ge [sflag:s15], $0x4000  }
0x78: {  	[sflag:s15] =	ssyncset.done $0x0  }
0x79: {  	[sflag:s15] =	ssyncadd.s32 $0xFFFFC000  }
0x7a: {  	[tilespmem:s11], [sflag:$0x1] =	stream.indirect.gather [hbm4b:s9+s4], $0x80, s21, s4, $0xb8;
	[tilespmem:$0x10400] =	vst v63  }
0x7b: {  	_ =	swait.ge [sflag:s14], $0x4000  }
0x7c: {  	[sflag:s14] =	ssyncset.done $0x0  }
0x7d: {  	[sflag:s14] =	ssyncadd.s32 $0xFFFFC000  }
0x7e: {  	[hbm4b:s22+s2] =	stream.linear.scatter [tilespmem:s13], [sflag:$0x2], $0x4000, $0x38;
	[tilespmem:$0x10400] =	vst v63  }
0x7f: {  	_ =	swait.ge [sflag:s15], $0x4000  }
0x80: {  	[sflag:s15] =	ssyncset.done $0x0  }
0x81: {  	[sflag:s15] =	ssyncadd.s32 $0xFFFFC000  }
0x82: {  	[tilespmem:s13], [sflag:$0x1] =	stream.indirect.gather [hbm4b:s9+s4], $0x80, s23, s4, $0xb8;
	[tilespmem:$0x10400] =	vst v63  }
0x83: {  	_ =	swait.ge [sflag:s14], $0x4000  }
0x84: {  	[sflag:s14] =	ssyncset.done $0x0  }
0x85: {  	[sflag:s14] =	ssyncadd.s32 $0xFFFFC000  }
0x86: {  	[hbm4b:s24+s2] =	stream.linear.scatter [tilespmem:s5], [sflag:$0x2], $0x4000, $0x38;
	[tilespmem:$0x10400] =	vst v63  }
0x87: {  	_ =	swait.ge [sflag:s14], $0x4000  }
0x88: {  	[sflag:s14] =	ssyncset.done $0x0  }
0x89: {  	[sflag:s14] =	ssyncadd.s32 $0xFFFFC000  }
0x8a: {  	[hbm4b:s25+s2] =	stream.linear.scatter [tilespmem:s10], [sflag:$0x2], $0x4000, $0x38;
	[tilespmem:$0x10400] =	vst v63  }
0x8b: {  	_ =	swait.ge [sflag:s14], $0x4000  }
0x8c: {  	[sflag:s14] =	ssyncset.done $0x0  }
0x8d: {  	[sflag:s14] =	ssyncadd.s32 $0xFFFFC000  }
0x8e: {  	[hbm4b:s26+s2] =	stream.linear.scatter [tilespmem:s11], [sflag:$0x2], $0x4000, $0x38;
	[tilespmem:$0x10400] =	vst v63  }
0x8f: {  	_ =	swait.ge [sflag:s14], $0x4000  }
0x90: {  	[sflag:s14] =	ssyncset.done $0x0  }
0x91: {  	[sflag:s14] =	ssyncadd.s32 $0xFFFFC000  }
0x92: {  	[hbm4b:s28+s2] =	stream.linear.scatter [tilespmem:s13], [sflag:$0x2], $0x4000, $0x38;
	[tilespmem:$0x10400] =	vst v63  }
0x93: {  	_ =	swait.ge [sflag:s15], $0x4000  }
0x94: {  	[sflag:s15] =	ssyncset.done $0x0  }
0x95: {  	[sflag:s15] =	ssyncadd.s32 $0xFFFFC000  }
0x96: {  	_ =	swait.ge [sflag:s15], $0x4000  }
0x97: {  	[sflag:s15] =	ssyncset.done $0x0  }
0x98: {  	[sflag:s15] =	ssyncadd.s32 $0xFFFFC000  }
.Ltmp1:
0x99: {  	_ =	swait.ge [sflag:s15], $0x4000;
	(pc) =	sbr.rel @p0 .LBB2_1-.Ltmp1, $4  }
0x9a: {  	[sflag:s15] =	ssyncset.done $0x0  }
0x9b: {  	[sflag:s15] =	ssyncadd.s32 $0xFFFFC000  }
0x9c: {  	_ =	swait.ge [sflag:s15], $0x4000  }
0x9d: {  	[sflag:s15] =	ssyncset.done $0x0  }
.LBB2_2:
0x9e: {  	[sflag:s15] =	ssyncadd.s32 $0xFFFFC000  }
0x9f: {  	_ =	sfence.sel $0x180000  }
0xa0: {  	[bflag:$0x0] =	sbarrier.arrive $0xFFFF  }
0xa1: {  	p0 =	sne.s32 s0, $0x0;
	_ =	strace $0x90000047  }
0xa2: {  	s0 =	sadd.s32 @!p0 $0x100000, s1;
	[bflag:$0x2] =	sbarrier.arrive $0xFFFF  }
0xa3: {  	[sflag:s0] =	ssyncadd.tile.s32 @!p0 $0x1;
	_ =	shalt  }
.Lfunc_end2:
_tile_overlayer_lowered:
.L_overlay_start_2:
0xa4: {  	(tag) =	ssettag $0x2  }
0xa5: {  	s0 =	rddreg [dreg:$0x0];
	s2 =	stileid.u32  }
0xa6: {  	s1 =	rddreg [dreg:$0x1];
	p0 =	sne.s32 s2, $0x0  }
0xa7: {  	s3 =	rddreg [dreg:$0x2];
	[bflag:$0x3] =	sbarrier.arrive $0xFFFF;
	s2 =	simm.s32 @!p0 $0x1C03  }
0xa8: {  	[timem:s3], [sflag:s2] =	dma.local @!p0 [hbm:s0], s1  }
0xa9: {  	s0 =	simm.s32 @!p0 $0x3  }
0xaa: {  	_ =	swait.ge @!p0 [sflag:s0], s1  }
0xab: {  	s1 =	ssub.s32 @!p0 $0x0, s1;
	[sflag:s0] =	ssyncset.done @!p0 $0x0  }
0xac: {  	[sflag:s0] =	ssyncadd.s32 @!p0 s1  }
0xad: {  	[bflag:$0x3] =	sbarrier.arrive $0xFFFF  }
0xae: {  	_ =	shalt  }

</sc_bundles>
